<compile_context>
chip_gen: v7x
topology: tpu7x:2x2x1
jax: 0.10.2.dev20260603
libtpu: 0.0.44.dev20260713+nightly
codegen_flags: <defaults>
</compile_context>

<pallas_src>
import jax
import jax.numpy as jnp
from jax import lax
from jax.experimental import pallas as pl
from jax.experimental.pallas import tpu as pltpu
from jax.experimental.pallas import tpu_sc as plsc

VOCAB = 30522
HIDDEN = 1024
BATCH = 4
SEQ = 2048
EPS = 1e-12

TOK = BATCH * SEQ
_INFO = plsc.get_sparse_core_info()
NC = _INFO.num_cores
NS = _INFO.num_subcores
NW = NC * NS
PER_W = TOK // NW
CH = 32
NCH = PER_W // CH


def _sc_gather_body(ids_hbm, table_hbm, out_hbm, idx_v, rows_v, gsem, ssem):
    wid = lax.axis_index("s") * NC + lax.axis_index("c")
    base = wid * PER_W
    pltpu.sync_copy(ids_hbm.at[pl.ds(base, PER_W)], idx_v)
    g = [None] * NCH
    s = [None] * NCH
    for k in range(NCH):
        if k >= 2:
            s[k - 2].wait()
        g[k] = pltpu.async_copy(
            table_hbm.at[idx_v.at[pl.ds(k * CH, CH)]], rows_v.at[k % 2], gsem)
        if k >= 1:
            g[k - 1].wait()
            s[k - 1] = pltpu.async_copy(
                rows_v.at[(k - 1) % 2],
                out_hbm.at[pl.ds(base + (k - 1) * CH, CH)], ssem)
    g[NCH - 1].wait()
    s[NCH - 1] = pltpu.async_copy(
        rows_v.at[(NCH - 1) % 2],
        out_hbm.at[pl.ds(base + (NCH - 1) * CH, CH)], ssem)
    s[NCH - 2].wait()
    s[NCH - 1].wait()


_sc_gather = pl.kernel(
    _sc_gather_body,
    mesh=plsc.VectorSubcoreMesh(core_axis_name="c", subcore_axis_name="s"),
    out_type=jax.ShapeDtypeStruct((TOK, HIDDEN), jnp.float32),
    scratch_types=[
        pltpu.VMEM((PER_W,), jnp.int32),
        pltpu.VMEM((2, CH, HIDDEN), jnp.float32),
        pltpu.SemaphoreType.DMA,
        pltpu.SemaphoreType.DMA,
    ],
)

BS = 1024
SB = SEQ // BS


def _tc_ln_body(g_ref, pos_ref, tt_ref, ttab_ref, gamma_ref, beta_ref, o_ref):
    x = g_ref[...] + pos_ref[...]
    ids = tt_ref[0, 0, :]
    w = jnp.clip(ids, 0, 1).astype(jnp.float32)[:, None]
    tt0 = ttab_ref[0, :][None, :]
    tt1 = ttab_ref[1, :][None, :]
    x = x + tt0 + w * (tt1 - tt0)
    mean = jnp.mean(x, axis=-1, keepdims=True)
    xc = x - mean
    var = jnp.mean(xc * xc, axis=-1, keepdims=True)
    y = xc * lax.rsqrt(var + EPS)
    o_ref[0] = y * gamma_ref[0, :][None, :] + beta_ref[0, :][None, :]


_tc_ln = pl.pallas_call(
    _tc_ln_body,
    grid=(SB, BATCH),
    in_specs=[
        pl.BlockSpec((BS, HIDDEN), lambda i, j: (j * SB + i, 0)),
        pl.BlockSpec((BS, HIDDEN), lambda i, j: (i, 0)),
        pl.BlockSpec((1, 1, BS), lambda i, j: (j * SB + i, 0, 0)),
        pl.BlockSpec((2, HIDDEN), lambda i, j: (0, 0)),
        pl.BlockSpec((1, HIDDEN), lambda i, j: (0, 0)),
        pl.BlockSpec((1, HIDDEN), lambda i, j: (0, 0)),
    ],
    out_specs=pl.BlockSpec((1, BS, HIDDEN), lambda i, j: (j, i, 0)),
    out_shape=jax.ShapeDtypeStruct((BATCH, SEQ, HIDDEN), jnp.float32),
)


@jax.jit
def kernel(input_ids, token_type_ids, word_embeddings, position_embeddings,
           token_type_embeddings, gamma, beta):
    ids = input_ids.reshape(-1).astype(jnp.int32)
    gathered = _sc_gather(ids, word_embeddings)
    tt = token_type_ids.reshape(TOK // BS, 1, BS).astype(jnp.int32)
    return _tc_ln(gathered, position_embeddings, tt, token_type_embeddings,
                  gamma.reshape(1, HIDDEN), beta.reshape(1, HIDDEN))

# --- scband reference (transcript-rebuilt; emitter-appended) ---
"""Pipeline reference for scband-bert-embeddings-80771154969062 (READ-ONLY COPY).

The authoritative reference and input builder live on the scoring server;
editing this copy changes nothing except your own understanding.
"""

import jax, jax.numpy as jnp
import numpy as np

VOCAB = 30522
HIDDEN = 1024
MAX_POS = 2048
TYPE_VOCAB = 2
BATCH = 4
SEQ = 2048
EPS = 1e-12


def setup_inputs(seed: int = 0) -> dict:
    key = jax.random.key(seed)
    ks = jax.random.split(key, 6)
    input_ids = jax.random.randint(ks[0], (BATCH, SEQ), 0, VOCAB)
    token_type_ids = jnp.zeros((BATCH, SEQ), dtype=jnp.int32)
    word_embeddings = jax.random.normal(ks[1], (VOCAB, HIDDEN), dtype=jnp.float32) * 0.02
    # padding_idx=0 -> row 0 is zeros, matching nn.Embedding(padding_idx=0)
    word_embeddings = word_embeddings.at[0].set(0.0)
    position_embeddings = jax.random.normal(ks[2], (MAX_POS, HIDDEN), dtype=jnp.float32) * 0.02
    token_type_embeddings = jax.random.normal(ks[3], (TYPE_VOCAB, HIDDEN), dtype=jnp.float32) * 0.02
    gamma = jnp.ones((HIDDEN,), dtype=jnp.float32)
    beta = jnp.zeros((HIDDEN,), dtype=jnp.float32)
    return {
        "input_ids": input_ids,
        "token_type_ids": token_type_ids,
        "word_embeddings": word_embeddings,
        "position_embeddings": position_embeddings,
        "token_type_embeddings": token_type_embeddings,
        "gamma": gamma,
        "beta": beta,
    }


def reference(input_ids, token_type_ids, word_embeddings, position_embeddings, token_type_embeddings, gamma, beta):
    seq_length = input_ids.shape[1]
    position_ids = jnp.arange(seq_length, dtype=jnp.int32)[None, :]  # past_key_values_length=0
    inputs_embeds = jnp.take(word_embeddings, input_ids, axis=0)
    tt_embeds = jnp.take(token_type_embeddings, token_type_ids, axis=0)
    embeddings = inputs_embeds + tt_embeds
    pos_embeds = jnp.take(position_embeddings, position_ids, axis=0)
    embeddings = embeddings + pos_embeds
    mean = jnp.mean(embeddings, axis=-1, keepdims=True)
    var = jnp.mean((embeddings - mean) ** 2, axis=-1, keepdims=True)
    embeddings = (embeddings - mean) / jnp.sqrt(var + EPS) * gamma + beta
    # dropout is identity in eval mode
    return embeddings

if __name__ == "__main__":
    import jax
    _d = setup_inputs()
    print(jax.jit(kernel)(*tuple(_d.values())))

</pallas_src>

<mosaic_0001>
#map = affine_map<(d0, d1) -> (0)>
#map1 = affine_map<(d0, d1) -> (0, 0)>
module attributes {stable_mosaic.version = 14 : i64} {
  func.func @_sc_gather_body(%arg0: i32, %arg1: i32, %arg2: memref<8192xi32, #tpu.memory_space<hbm>>, %arg3: memref<30522x1024xf32, #tpu.memory_space<hbm>>, %arg4: memref<8192x1024xf32, #tpu.memory_space<hbm>>, %arg5: memref<256xi32, #tpu.memory_space<vmem>>, %arg6: memref<2x32x1024xf32, #tpu.memory_space<vmem>>, %arg7: memref<!tpu.dma_semaphore, #tpu.memory_space<semaphore_mem>>, %arg8: memref<!tpu.dma_semaphore, #tpu.memory_space<semaphore_mem>>) attributes {dimension_semantics = [#tpu.dimension_semantics<core_parallel>, #tpu.dimension_semantics<subcore_parallel>], iteration_bounds = array<i64: 2, 16>, scalar_prefetch = 0 : i64, scratch_operands = 4 : i64, tpu.core_type = #tpu.core_type<sc_vector_subcore>, window_params = [{transform_indices = #map}, {transform_indices = #map1}, {transform_indices = #map1}]} {
    %mul3A = arith.constant 2 : i32
    %mul3A_0 = arith.muli %arg1, %mul3A : i32
    %add3A = arith.addi %mul3A_0, %arg0 : i32
    %mul3A_1 = arith.constant 256 : i32
    %mul3A_2 = arith.muli %add3A, %mul3A_1 : i32
    "tpu.region"() ({
      %run_scoped3A = tpu.sem_alloc : memref<!tpu.dma_semaphore, #tpu.memory_space<semaphore_mem>>
      %dma_start3A_385 = tpu.memref_slice %arg2[%mul3A_2] : memref<8192xi32, #tpu.memory_space<hbm>> -> memref<256xi32, #tpu.memory_space<hbm>>
      %dma_start3A_386 = tpu.memref_slice %arg2[%mul3A_2] : memref<8192xi32, #tpu.memory_space<hbm>> -> memref<256xi32, #tpu.memory_space<hbm>>
      tpu.enqueue_dma source(%dma_start3A_386 : memref<256xi32, #tpu.memory_space<hbm>>) target(%arg5 : memref<256xi32, #tpu.memory_space<vmem>>) target_semaphore(%run_scoped3A : memref<!tpu.dma_semaphore, #tpu.memory_space<semaphore_mem>>)
      %dma_wait3A_387 = tpu.memref_slice %arg2[%mul3A_2] : memref<8192xi32, #tpu.memory_space<hbm>> -> memref<256xi32, #tpu.memory_space<hbm>>
      %dma_wait3A_388 = tpu.memref_slice %arg2[%mul3A_2] : memref<8192xi32, #tpu.memory_space<hbm>> -> memref<256xi32, #tpu.memory_space<hbm>>
      tpu.wait_dma2 semaphore(%run_scoped3A : memref<!tpu.dma_semaphore, #tpu.memory_space<semaphore_mem>>) src(%dma_wait3A_388 : memref<256xi32, #tpu.memory_space<hbm>>) dst(%arg5 : memref<256xi32, #tpu.memory_space<vmem>>)
      tpu.yield
    }) : () -> ()
    %dma_start3A = arith.constant 0 : i32
    %dma_start3A_3 = arith.constant 0 : i32
    %dma_start3A_4 = arith.constant 0 : i32
    %dma_start3A_5 = tpu.memref_slice %arg6[%dma_start3A, %dma_start3A_3, %dma_start3A_4] : memref<2x32x1024xf32, #tpu.memory_space<vmem>> -> memref<1x32x1024xf32, #tpu.memory_space<vmem>>
    %dma_start3A_6 = tpu.memref_squeeze %dma_start3A_5 : memref<1x32x1024xf32, #tpu.memory_space<vmem>> -> memref<32x1024xf32, #tpu.memory_space<vmem>>
    %dma_start3A_7 = arith.constant 0 : i32
    %dma_start3A_8 = tpu.memref_slice %arg5[%dma_start3A_7] : memref<256xi32, #tpu.memory_space<vmem>> -> memref<32xi32, #tpu.memory_space<vmem>>
    %dma_start3A_9 = arith.constant 0 : i32
    %dma_start3A_10 = arith.constant 0 : i32
    %dma_start3A_11 = tpu.memref_slice %arg3[%dma_start3A_9, %dma_start3A_10] : memref<30522x1024xf32, #tpu.memory_space<hbm>> -> memref<30522x1024xf32, #tpu.memory_space<hbm>>
    tpu.enqueue_indirect_dma source(%dma_start3A_11 : memref<30522x1024xf32, #tpu.memory_space<hbm>>) target(%dma_start3A_6 : memref<32x1024xf32, #tpu.memory_space<vmem>>) offsets(%dma_start3A_8 : memref<32xi32, #tpu.memory_space<vmem>>) semaphore(%arg7 : memref<!tpu.dma_semaphore, #tpu.memory_space<semaphore_mem>>)
    %dma_start3A_12 = arith.constant 1 : i32
    %dma_start3A_13 = arith.constant 0 : i32
    %dma_start3A_14 = arith.constant 0 : i32
    %dma_start3A_15 = tpu.memref_slice %arg6[%dma_start3A_12, %dma_start3A_13, %dma_start3A_14] : memref<2x32x1024xf32, #tpu.memory_space<vmem>> -> memref<1x32x1024xf32, #tpu.memory_space<vmem>>
    %dma_start3A_16 = tpu.memref_squeeze %dma_start3A_15 : memref<1x32x1024xf32, #tpu.memory_space<vmem>> -> memref<32x1024xf32, #tpu.memory_space<vmem>>
    %dma_start3A_17 = arith.constant 32 : i32
    %dma_start3A_18 = tpu.memref_slice %arg5[%dma_start3A_17] : memref<256xi32, #tpu.memory_space<vmem>> -> memref<32xi32, #tpu.memory_space<vmem>>
    %dma_start3A_19 = arith.constant 0 : i32
    %dma_start3A_20 = arith.constant 0 : i32
    %dma_start3A_21 = tpu.memref_slice %arg3[%dma_start3A_19, %dma_start3A_20] : memref<30522x1024xf32, #tpu.memory_space<hbm>> -> memref<30522x1024xf32, #tpu.memory_space<hbm>>
    tpu.enqueue_indirect_dma source(%dma_start3A_21 : memref<30522x1024xf32, #tpu.memory_space<hbm>>) target(%dma_start3A_16 : memref<32x1024xf32, #tpu.memory_space<vmem>>) offsets(%dma_start3A_18 : memref<32xi32, #tpu.memory_space<vmem>>) semaphore(%arg7 : memref<!tpu.dma_semaphore, #tpu.memory_space<semaphore_mem>>)
    %dma_wait3A = arith.constant 0 : i32
    %dma_wait3A_22 = arith.constant 0 : i32
    %dma_wait3A_23 = arith.constant 0 : i32
    %dma_wait3A_24 = tpu.memref_slice %arg6[%dma_wait3A, %dma_wait3A_22, %dma_wait3A_23] : memref<2x32x1024xf32, #tpu.memory_space<vmem>> -> memref<1x32x1024xf32, #tpu.memory_space<vmem>>
    %dma_wait3A_25 = tpu.memref_squeeze %dma_wait3A_24 : memref<1x32x1024xf32, #tpu.memory_space<vmem>> -> memref<32x1024xf32, #tpu.memory_space<vmem>>
    %dma_wait3A_26 = arith.constant 0 : i32
    %dma_wait3A_27 = tpu.memref_slice %arg5[%dma_wait3A_26] : memref<256xi32, #tpu.memory_space<vmem>> -> memref<32xi32, #tpu.memory_space<vmem>>
    %dma_wait3A_28 = arith.constant 0 : i32
    %dma_wait3A_29 = arith.constant 0 : i32
    %dma_wait3A_30 = tpu.memref_slice %arg3[%dma_wait3A_28, %dma_wait3A_29] : memref<30522x1024xf32, #tpu.memory_space<hbm>> -> memref<30522x1024xf32, #tpu.memory_space<hbm>>
    tpu.wait_indirect_dma semaphore(%arg7 : memref<!tpu.dma_semaphore, #tpu.memory_space<semaphore_mem>>) src(%dma_wait3A_30 : memref<30522x1024xf32, #tpu.memory_space<hbm>>) dst(%dma_wait3A_25 : memref<32x1024xf32, #tpu.memory_space<vmem>>)
    %add3A_31 = arith.constant 0 : i32
    %add3A_32 = arith.addi %mul3A_2, %add3A_31 : i32
    %dma_start3A_33 = arith.constant 0 : i32
    %dma_start3A_34 = arith.constant 0 : i32
    %dma_start3A_35 = arith.constant 0 : i32
    %dma_start3A_36 = tpu.memref_slice %arg6[%dma_start3A_33, %dma_start3A_34, %dma_start3A_35] : memref<2x32x1024xf32, #tpu.memory_space<vmem>> -> memref<1x32x1024xf32, #tpu.memory_space<vmem>>
    %dma_start3A_37 = tpu.memref_squeeze %dma_start3A_36 : memref<1x32x1024xf32, #tpu.memory_space<vmem>> -> memref<32x1024xf32, #tpu.memory_space<vmem>>
    %dma_start3A_38 = arith.constant 0 : i32
    %dma_start3A_39 = tpu.memref_slice %arg4[%add3A_32, %dma_start3A_38] : memref<8192x1024xf32, #tpu.memory_space<hbm>> -> memref<32x1024xf32, #tpu.memory_space<hbm>>
    %dma_start3A_40 = arith.constant 0 : i32
    %dma_start3A_41 = tpu.memref_slice %arg4[%add3A_32, %dma_start3A_40] : memref<8192x1024xf32, #tpu.memory_space<hbm>> -> memref<32x1024xf32, #tpu.memory_space<hbm>>
    %dma_start3A_42 = arith.constant 0 : i32
    %dma_start3A_43 = arith.constant 0 : i32
    %dma_start3A_44 = tpu.memref_slice %arg6[%dma_start3A_33, %dma_start3A_42, %dma_start3A_43] : memref<2x32x1024xf32, #tpu.memory_space<vmem>> -> memref<1x32x1024xf32, #tpu.memory_space<vmem>>
    %dma_start3A_45 = tpu.memref_squeeze %dma_start3A_44 : memref<1x32x1024xf32, #tpu.memory_space<vmem>> -> memref<32x1024xf32, #tpu.memory_space<vmem>>
    tpu.enqueue_dma source(%dma_start3A_45 : memref<32x1024xf32, #tpu.memory_space<vmem>>) target(%dma_start3A_41 : memref<32x1024xf32, #tpu.memory_space<hbm>>) target_semaphore(%arg8 : memref<!tpu.dma_semaphore, #tpu.memory_space<semaphore_mem>>)
    %dma_wait3A_46 = arith.constant 0 : i32
    %dma_wait3A_47 = arith.constant 0 : i32
    %dma_wait3A_48 = arith.constant 0 : i32
    %dma_wait3A_49 = tpu.memref_slice %arg6[%dma_wait3A_46, %dma_wait3A_47, %dma_wait3A_48] : memref<2x32x1024xf32, #tpu.memory_space<vmem>> -> memref<1x32x1024xf32, #tpu.memory_space<vmem>>
    %dma_wait3A_50 = tpu.memref_squeeze %dma_wait3A_49 : memref<1x32x1024xf32, #tpu.memory_space<vmem>> -> memref<32x1024xf32, #tpu.memory_space<vmem>>
    %dma_wait3A_51 = arith.constant 0 : i32
    %dma_wait3A_52 = tpu.memref_slice %arg4[%add3A_32, %dma_wait3A_51] : memref<8192x1024xf32, #tpu.memory_space<hbm>> -> memref<32x1024xf32, #tpu.memory_space<hbm>>
    %dma_wait3A_53 = arith.constant 0 : i32
    %dma_wait3A_54 = tpu.memref_slice %arg4[%add3A_32, %dma_wait3A_53] : memref<8192x1024xf32, #tpu.memory_space<hbm>> -> memref<32x1024xf32, #tpu.memory_space<hbm>>
    %dma_wait3A_55 = arith.constant 0 : i32
    %dma_wait3A_56 = arith.constant 0 : i32
    %dma_wait3A_57 = tpu.memref_slice %arg6[%dma_wait3A_46, %dma_wait3A_55, %dma_wait3A_56] : memref<2x32x1024xf32, #tpu.memory_space<vmem>> -> memref<1x32x1024xf32, #tpu.memory_space<vmem>>
    %dma_wait3A_58 = tpu.memref_squeeze %dma_wait3A_57 : memref<1x32x1024xf32, #tpu.memory_space<vmem>> -> memref<32x1024xf32, #tpu.memory_space<vmem>>
    tpu.wait_dma2 semaphore(%arg8 : memref<!tpu.dma_semaphore, #tpu.memory_space<semaphore_mem>>) src(%dma_wait3A_58 : memref<32x1024xf32, #tpu.memory_space<vmem>>) dst(%dma_wait3A_54 : memref<32x1024xf32, #tpu.memory_space<hbm>>)
    %dma_start3A_59 = arith.constant 0 : i32
    %dma_start3A_60 = arith.constant 0 : i32
    %dma_start3A_61 = arith.constant 0 : i32
    %dma_start3A_62 = tpu.memref_slice %arg6[%dma_start3A_59, %dma_start3A_60, %dma_start3A_61] : memref<2x32x1024xf32, #tpu.memory_space<vmem>> -> memref<1x32x1024xf32, #tpu.memory_space<vmem>>
    %dma_start3A_63 = tpu.memref_squeeze %dma_start3A_62 : memref<1x32x1024xf32, #tpu.memory_space<vmem>> -> memref<32x1024xf32, #tpu.memory_space<vmem>>
    %dma_start3A_64 = arith.constant 64 : i32
    %dma_start3A_65 = tpu.memref_slice %arg5[%dma_start3A_64] : memref<256xi32, #tpu.memory_space<vmem>> -> memref<32xi32, #tpu.memory_space<vmem>>
    %dma_start3A_66 = arith.constant 0 : i32
    %dma_start3A_67 = arith.constant 0 : i32
    %dma_start3A_68 = tpu.memref_slice %arg3[%dma_start3A_66, %dma_start3A_67] : memref<30522x1024xf32, #tpu.memory_space<hbm>> -> memref<30522x1024xf32, #tpu.memory_space<hbm>>
    tpu.enqueue_indirect_dma source(%dma_start3A_68 : memref<30522x1024xf32, #tpu.memory_space<hbm>>) target(%dma_start3A_63 : memref<32x1024xf32, #tpu.memory_space<vmem>>) offsets(%dma_start3A_65 : memref<32xi32, #tpu.memory_space<vmem>>) semaphore(%arg7 : memref<!tpu.dma_semaphore, #tpu.memory_space<semaphore_mem>>)
    %dma_wait3A_69 = arith.constant 1 : i32
    %dma_wait3A_70 = arith.constant 0 : i32
    %dma_wait3A_71 = arith.constant 0 : i32
    %dma_wait3A_72 = tpu.memref_slice %arg6[%dma_wait3A_69, %dma_wait3A_70, %dma_wait3A_71] : memref<2x32x1024xf32, #tpu.memory_space<vmem>> -> memref<1x32x1024xf32, #tpu.memory_space<vmem>>
    %dma_wait3A_73 = tpu.memref_squeeze %dma_wait3A_72 : memref<1x32x1024xf32, #tpu.memory_space<vmem>> -> memref<32x1024xf32, #tpu.memory_space<vmem>>
    %dma_wait3A_74 = arith.constant 32 : i32
    %dma_wait3A_75 = tpu.memref_slice %arg5[%dma_wait3A_74] : memref<256xi32, #tpu.memory_space<vmem>> -> memref<32xi32, #tpu.memory_space<vmem>>
    %dma_wait3A_76 = arith.constant 0 : i32
    %dma_wait3A_77 = arith.constant 0 : i32
    %dma_wait3A_78 = tpu.memref_slice %arg3[%dma_wait3A_76, %dma_wait3A_77] : memref<30522x1024xf32, #tpu.memory_space<hbm>> -> memref<30522x1024xf32, #tpu.memory_space<hbm>>
    tpu.wait_indirect_dma semaphore(%arg7 : memref<!tpu.dma_semaphore, #tpu.memory_space<semaphore_mem>>) src(%dma_wait3A_78 : memref<30522x1024xf32, #tpu.memory_space<hbm>>) dst(%dma_wait3A_73 : memref<32x1024xf32, #tpu.memory_space<vmem>>)
    %add3A_79 = arith.constant 32 : i32
    %add3A_80 = arith.addi %mul3A_2, %add3A_79 : i32
    %dma_start3A_81 = arith.constant 1 : i32
    %dma_start3A_82 = arith.constant 0 : i32
    %dma_start3A_83 = arith.constant 0 : i32
    %dma_start3A_84 = tpu.memref_slice %arg6[%dma_start3A_81, %dma_start3A_82, %dma_start3A_83] : memref<2x32x1024xf32, #tpu.memory_space<vmem>> -> memref<1x32x1024xf32, #tpu.memory_space<vmem>>
    %dma_start3A_85 = tpu.memref_squeeze %dma_start3A_84 : memref<1x32x1024xf32, #tpu.memory_space<vmem>> -> memref<32x1024xf32, #tpu.memory_space<vmem>>
    %dma_start3A_86 = arith.constant 0 : i32
    %dma_start3A_87 = tpu.memref_slice %arg4[%add3A_80, %dma_start3A_86] : memref<8192x1024xf32, #tpu.memory_space<hbm>> -> memref<32x1024xf32, #tpu.memory_space<hbm>>
    %dma_start3A_88 = arith.constant 0 : i32
    %dma_start3A_89 = tpu.memref_slice %arg4[%add3A_80, %dma_start3A_88] : memref<8192x1024xf32, #tpu.memory_space<hbm>> -> memref<32x1024xf32, #tpu.memory_space<hbm>>
    %dma_start3A_90 = arith.constant 0 : i32
    %dma_start3A_91 = arith.constant 0 : i32
    %dma_start3A_92 = tpu.memref_slice %arg6[%dma_start3A_81, %dma_start3A_90, %dma_start3A_91] : memref<2x32x1024xf32, #tpu.memory_space<vmem>> -> memref<1x32x1024xf32, #tpu.memory_space<vmem>>
    %dma_start3A_93 = tpu.memref_squeeze %dma_start3A_92 : memref<1x32x1024xf32, #tpu.memory_space<vmem>> -> memref<32x1024xf32, #tpu.memory_space<vmem>>
    tpu.enqueue_dma source(%dma_start3A_93 : memref<32x1024xf32, #tpu.memory_space<vmem>>) target(%dma_start3A_89 : memref<32x1024xf32, #tpu.memory_space<hbm>>) target_semaphore(%arg8 : memref<!tpu.dma_semaphore, #tpu.memory_space<semaphore_mem>>)
    %dma_wait3A_94 = arith.constant 1 : i32
    %dma_wait3A_95 = arith.constant 0 : i32
    %dma_wait3A_96 = arith.constant 0 : i32
    %dma_wait3A_97 = tpu.memref_slice %arg6[%dma_wait3A_94, %dma_wait3A_95, %dma_wait3A_96] : memref<2x32x1024xf32, #tpu.memory_space<vmem>> -> memref<1x32x1024xf32, #tpu.memory_space<vmem>>
    %dma_wait3A_98 = tpu.memref_squeeze %dma_wait3A_97 : memref<1x32x1024xf32, #tpu.memory_space<vmem>> -> memref<32x1024xf32, #tpu.memory_space<vmem>>
    %dma_wait3A_99 = arith.constant 0 : i32
    %dma_wait3A_100 = tpu.memref_slice %arg4[%add3A_80, %dma_wait3A_99] : memref<8192x1024xf32, #tpu.memory_space<hbm>> -> memref<32x1024xf32, #tpu.memory_space<hbm>>
    %dma_wait3A_101 = arith.constant 0 : i32
    %dma_wait3A_102 = tpu.memref_slice %arg4[%add3A_80, %dma_wait3A_101] : memref<8192x1024xf32, #tpu.memory_space<hbm>> -> memref<32x1024xf32, #tpu.memory_space<hbm>>
    %dma_wait3A_103 = arith.constant 0 : i32
    %dma_wait3A_104 = arith.constant 0 : i32
    %dma_wait3A_105 = tpu.memref_slice %arg6[%dma_wait3A_94, %dma_wait3A_103, %dma_wait3A_104] : memref<2x32x1024xf32, #tpu.memory_space<vmem>> -> memref<1x32x1024xf32, #tpu.memory_space<vmem>>
    %dma_wait3A_106 = tpu.memref_squeeze %dma_wait3A_105 : memref<1x32x1024xf32, #tpu.memory_space<vmem>> -> memref<32x1024xf32, #tpu.memory_space<vmem>>
    tpu.wait_dma2 semaphore(%arg8 : memref<!tpu.dma_semaphore, #tpu.memory_space<semaphore_mem>>) src(%dma_wait3A_106 : memref<32x1024xf32, #tpu.memory_space<vmem>>) dst(%dma_wait3A_102 : memref<32x1024xf32, #tpu.memory_space<hbm>>)
    %dma_start3A_107 = arith.constant 1 : i32
    %dma_start3A_108 = arith.constant 0 : i32
    %dma_start3A_109 = arith.constant 0 : i32
    %dma_start3A_110 = tpu.memref_slice %arg6[%dma_start3A_107, %dma_start3A_108, %dma_start3A_109] : memref<2x32x1024xf32, #tpu.memory_space<vmem>> -> memref<1x32x1024xf32, #tpu.memory_space<vmem>>
    %dma_start3A_111 = tpu.memref_squeeze %dma_start3A_110 : memref<1x32x1024xf32, #tpu.memory_space<vmem>> -> memref<32x1024xf32, #tpu.memory_space<vmem>>
    %dma_start3A_112 = arith.constant 96 : i32
    %dma_start3A_113 = tpu.memref_slice %arg5[%dma_start3A_112] : memref<256xi32, #tpu.memory_space<vmem>> -> memref<32xi32, #tpu.memory_space<vmem>>
    %dma_start3A_114 = arith.constant 0 : i32
    %dma_start3A_115 = arith.constant 0 : i32
    %dma_start3A_116 = tpu.memref_slice %arg3[%dma_start3A_114, %dma_start3A_115] : memref<30522x1024xf32, #tpu.memory_space<hbm>> -> memref<30522x1024xf32, #tpu.memory_space<hbm>>
    tpu.enqueue_indirect_dma source(%dma_start3A_116 : memref<30522x1024xf32, #tpu.memory_space<hbm>>) target(%dma_start3A_111 : memref<32x1024xf32, #tpu.memory_space<vmem>>) offsets(%dma_start3A_113 : memref<32xi32, #tpu.memory_space<vmem>>) semaphore(%arg7 : memref<!tpu.dma_semaphore, #tpu.memory_space<semaphore_mem>>)
    %dma_wait3A_117 = arith.constant 0 : i32
    %dma_wait3A_118 = arith.constant 0 : i32
    %dma_wait3A_119 = arith.constant 0 : i32
    %dma_wait3A_120 = tpu.memref_slice %arg6[%dma_wait3A_117, %dma_wait3A_118, %dma_wait3A_119] : memref<2x32x1024xf32, #tpu.memory_space<vmem>> -> memref<1x32x1024xf32, #tpu.memory_space<vmem>>
    %dma_wait3A_121 = tpu.memref_squeeze %dma_wait3A_120 : memref<1x32x1024xf32, #tpu.memory_space<vmem>> -> memref<32x1024xf32, #tpu.memory_space<vmem>>
    %dma_wait3A_122 = arith.constant 64 : i32
    %dma_wait3A_123 = tpu.memref_slice %arg5[%dma_wait3A_122] : memref<256xi32, #tpu.memory_space<vmem>> -> memref<32xi32, #tpu.memory_space<vmem>>
    %dma_wait3A_124 = arith.constant 0 : i32
    %dma_wait3A_125 = arith.constant 0 : i32
    %dma_wait3A_126 = tpu.memref_slice %arg3[%dma_wait3A_124, %dma_wait3A_125] : memref<30522x1024xf32, #tpu.memory_space<hbm>> -> memref<30522x1024xf32, #tpu.memory_space<hbm>>
    tpu.wait_indirect_dma semaphore(%arg7 : memref<!tpu.dma_semaphore, #tpu.memory_space<semaphore_mem>>) src(%dma_wait3A_126 : memref<30522x1024xf32, #tpu.memory_space<hbm>>) dst(%dma_wait3A_121 : memref<32x1024xf32, #tpu.memory_space<vmem>>)
    %add3A_127 = arith.constant 64 : i32
    %add3A_128 = arith.addi %mul3A_2, %add3A_127 : i32
    %dma_start3A_129 = arith.constant 0 : i32
    %dma_start3A_130 = arith.constant 0 : i32
    %dma_start3A_131 = arith.constant 0 : i32
    %dma_start3A_132 = tpu.memref_slice %arg6[%dma_start3A_129, %dma_start3A_130, %dma_start3A_131] : memref<2x32x1024xf32, #tpu.memory_space<vmem>> -> memref<1x32x1024xf32, #tpu.memory_space<vmem>>
    %dma_start3A_133 = tpu.memref_squeeze %dma_start3A_132 : memref<1x32x1024xf32, #tpu.memory_space<vmem>> -> memref<32x1024xf32, #tpu.memory_space<vmem>>
    %dma_start3A_134 = arith.constant 0 : i32
    %dma_start3A_135 = tpu.memref_slice %arg4[%add3A_128, %dma_start3A_134] : memref<8192x1024xf32, #tpu.memory_space<hbm>> -> memref<32x1024xf32, #tpu.memory_space<hbm>>
    %dma_start3A_136 = arith.constant 0 : i32
    %dma_start3A_137 = tpu.memref_slice %arg4[%add3A_128, %dma_start3A_136] : memref<8192x1024xf32, #tpu.memory_space<hbm>> -> memref<32x1024xf32, #tpu.memory_space<hbm>>
    %dma_start3A_138 = arith.constant 0 : i32
    %dma_start3A_139 = arith.constant 0 : i32
    %dma_start3A_140 = tpu.memref_slice %arg6[%dma_start3A_129, %dma_start3A_138, %dma_start3A_139] : memref<2x32x1024xf32, #tpu.memory_space<vmem>> -> memref<1x32x1024xf32, #tpu.memory_space<vmem>>
    %dma_start3A_141 = tpu.memref_squeeze %dma_start3A_140 : memref<1x32x1024xf32, #tpu.memory_space<vmem>> -> memref<32x1024xf32, #tpu.memory_space<vmem>>
    tpu.enqueue_dma source(%dma_start3A_141 : memref<32x1024xf32, #tpu.memory_space<vmem>>) target(%dma_start3A_137 : memref<32x1024xf32, #tpu.memory_space<hbm>>) target_semaphore(%arg8 : memref<!tpu.dma_semaphore, #tpu.memory_space<semaphore_mem>>)
    %dma_wait3A_142 = arith.constant 0 : i32
    %dma_wait3A_143 = arith.constant 0 : i32
    %dma_wait3A_144 = arith.constant 0 : i32
    %dma_wait3A_145 = tpu.memref_slice %arg6[%dma_wait3A_142, %dma_wait3A_143, %dma_wait3A_144] : memref<2x32x1024xf32, #tpu.memory_space<vmem>> -> memref<1x32x1024xf32, #tpu.memory_space<vmem>>
    %dma_wait3A_146 = tpu.memref_squeeze %dma_wait3A_145 : memref<1x32x1024xf32, #tpu.memory_space<vmem>> -> memref<32x1024xf32, #tpu.memory_space<vmem>>
    %dma_wait3A_147 = arith.constant 0 : i32
    %dma_wait3A_148 = tpu.memref_slice %arg4[%add3A_128, %dma_wait3A_147] : memref<8192x1024xf32, #tpu.memory_space<hbm>> -> memref<32x1024xf32, #tpu.memory_space<hbm>>
    %dma_wait3A_149 = arith.constant 0 : i32
    %dma_wait3A_150 = tpu.memref_slice %arg4[%add3A_128, %dma_wait3A_149] : memref<8192x1024xf32, #tpu.memory_space<hbm>> -> memref<32x1024xf32, #tpu.memory_space<hbm>>
    %dma_wait3A_151 = arith.constant 0 : i32
    %dma_wait3A_152 = arith.constant 0 : i32
    %dma_wait3A_153 = tpu.memref_slice %arg6[%dma_wait3A_142, %dma_wait3A_151, %dma_wait3A_152] : memref<2x32x1024xf32, #tpu.memory_space<vmem>> -> memref<1x32x1024xf32, #tpu.memory_space<vmem>>
    %dma_wait3A_154 = tpu.memref_squeeze %dma_wait3A_153 : memref<1x32x1024xf32, #tpu.memory_space<vmem>> -> memref<32x1024xf32, #tpu.memory_space<vmem>>
    tpu.wait_dma2 semaphore(%arg8 : memref<!tpu.dma_semaphore, #tpu.memory_space<semaphore_mem>>) src(%dma_wait3A_154 : memref<32x1024xf32, #tpu.memory_space<vmem>>) dst(%dma_wait3A_150 : memref<32x1024xf32, #tpu.memory_space<hbm>>)
    %dma_start3A_155 = arith.constant 0 : i32
    %dma_start3A_156 = arith.constant 0 : i32
    %dma_start3A_157 = arith.constant 0 : i32
    %dma_start3A_158 = tpu.memref_slice %arg6[%dma_start3A_155, %dma_start3A_156, %dma_start3A_157] : memref<2x32x1024xf32, #tpu.memory_space<vmem>> -> memref<1x32x1024xf32, #tpu.memory_space<vmem>>
    %dma_start3A_159 = tpu.memref_squeeze %dma_start3A_158 : memref<1x32x1024xf32, #tpu.memory_space<vmem>> -> memref<32x1024xf32, #tpu.memory_space<vmem>>
    %dma_start3A_160 = arith.constant 128 : i32
    %dma_start3A_161 = tpu.memref_slice %arg5[%dma_start3A_160] : memref<256xi32, #tpu.memory_space<vmem>> -> memref<32xi32, #tpu.memory_space<vmem>>
    %dma_start3A_162 = arith.constant 0 : i32
    %dma_start3A_163 = arith.constant 0 : i32
    %dma_start3A_164 = tpu.memref_slice %arg3[%dma_start3A_162, %dma_start3A_163] : memref<30522x1024xf32, #tpu.memory_space<hbm>> -> memref<30522x1024xf32, #tpu.memory_space<hbm>>
    tpu.enqueue_indirect_dma source(%dma_start3A_164 : memref<30522x1024xf32, #tpu.memory_space<hbm>>) target(%dma_start3A_159 : memref<32x1024xf32, #tpu.memory_space<vmem>>) offsets(%dma_start3A_161 : memref<32xi32, #tpu.memory_space<vmem>>) semaphore(%arg7 : memref<!tpu.dma_semaphore, #tpu.memory_space<semaphore_mem>>)
    %dma_wait3A_165 = arith.constant 1 : i32
    %dma_wait3A_166 = arith.constant 0 : i32
    %dma_wait3A_167 = arith.constant 0 : i32
    %dma_wait3A_168 = tpu.memref_slice %arg6[%dma_wait3A_165, %dma_wait3A_166, %dma_wait3A_167] : memref<2x32x1024xf32, #tpu.memory_space<vmem>> -> memref<1x32x1024xf32, #tpu.memory_space<vmem>>
    %dma_wait3A_169 = tpu.memref_squeeze %dma_wait3A_168 : memref<1x32x1024xf32, #tpu.memory_space<vmem>> -> memref<32x1024xf32, #tpu.memory_space<vmem>>
    %dma_wait3A_170 = arith.constant 96 : i32
    %dma_wait3A_171 = tpu.memref_slice %arg5[%dma_wait3A_170] : memref<256xi32, #tpu.memory_space<vmem>> -> memref<32xi32, #tpu.memory_space<vmem>>
    %dma_wait3A_172 = arith.constant 0 : i32
    %dma_wait3A_173 = arith.constant 0 : i32
    %dma_wait3A_174 = tpu.memref_slice %arg3[%dma_wait3A_172, %dma_wait3A_173] : memref<30522x1024xf32, #tpu.memory_space<hbm>> -> memref<30522x1024xf32, #tpu.memory_space<hbm>>
    tpu.wait_indirect_dma semaphore(%arg7 : memref<!tpu.dma_semaphore, #tpu.memory_space<semaphore_mem>>) src(%dma_wait3A_174 : memref<30522x1024xf32, #tpu.memory_space<hbm>>) dst(%dma_wait3A_169 : memref<32x1024xf32, #tpu.memory_space<vmem>>)
    %add3A_175 = arith.constant 96 : i32
    %add3A_176 = arith.addi %mul3A_2, %add3A_175 : i32
    %dma_start3A_177 = arith.constant 1 : i32
    %dma_start3A_178 = arith.constant 0 : i32
    %dma_start3A_179 = arith.constant 0 : i32
    %dma_start3A_180 = tpu.memref_slice %arg6[%dma_start3A_177, %dma_start3A_178, %dma_start3A_179] : memref<2x32x1024xf32, #tpu.memory_space<vmem>> -> memref<1x32x1024xf32, #tpu.memory_space<vmem>>
    %dma_start3A_181 = tpu.memref_squeeze %dma_start3A_180 : memref<1x32x1024xf32, #tpu.memory_space<vmem>> -> memref<32x1024xf32, #tpu.memory_space<vmem>>
    %dma_start3A_182 = arith.constant 0 : i32
    %dma_start3A_183 = tpu.memref_slice %arg4[%add3A_176, %dma_start3A_182] : memref<8192x1024xf32, #tpu.memory_space<hbm>> -> memref<32x1024xf32, #tpu.memory_space<hbm>>
    %dma_start3A_184 = arith.constant 0 : i32
    %dma_start3A_185 = tpu.memref_slice %arg4[%add3A_176, %dma_start3A_184] : memref<8192x1024xf32, #tpu.memory_space<hbm>> -> memref<32x1024xf32, #tpu.memory_space<hbm>>
    %dma_start3A_186 = arith.constant 0 : i32
    %dma_start3A_187 = arith.constant 0 : i32
    %dma_start3A_188 = tpu.memref_slice %arg6[%dma_start3A_177, %dma_start3A_186, %dma_start3A_187] : memref<2x32x1024xf32, #tpu.memory_space<vmem>> -> memref<1x32x1024xf32, #tpu.memory_space<vmem>>
    %dma_start3A_189 = tpu.memref_squeeze %dma_start3A_188 : memref<1x32x1024xf32, #tpu.memory_space<vmem>> -> memref<32x1024xf32, #tpu.memory_space<vmem>>
    tpu.enqueue_dma source(%dma_start3A_189 : memref<32x1024xf32, #tpu.memory_space<vmem>>) target(%dma_start3A_185 : memref<32x1024xf32, #tpu.memory_space<hbm>>) target_semaphore(%arg8 : memref<!tpu.dma_semaphore, #tpu.memory_space<semaphore_mem>>)
    %dma_wait3A_190 = arith.constant 1 : i32
    %dma_wait3A_191 = arith.constant 0 : i32
    %dma_wait3A_192 = arith.constant 0 : i32
    %dma_wait3A_193 = tpu.memref_slice %arg6[%dma_wait3A_190, %dma_wait3A_191, %dma_wait3A_192] : memref<2x32x1024xf32, #tpu.memory_space<vmem>> -> memref<1x32x1024xf32, #tpu.memory_space<vmem>>
    %dma_wait3A_194 = tpu.memref_squeeze %dma_wait3A_193 : memref<1x32x1024xf32, #tpu.memory_space<vmem>> -> memref<32x1024xf32, #tpu.memory_space<vmem>>
    %dma_wait3A_195 = arith.constant 0 : i32
    %dma_wait3A_196 = tpu.memref_slice %arg4[%add3A_176, %dma_wait3A_195] : memref<8192x1024xf32, #tpu.memory_space<hbm>> -> memref<32x1024xf32, #tpu.memory_space<hbm>>
    %dma_wait3A_197 = arith.constant 0 : i32
    %dma_wait3A_198 = tpu.memref_slice %arg4[%add3A_176, %dma_wait3A_197] : memref<8192x1024xf32, #tpu.memory_space<hbm>> -> memref<32x1024xf32, #tpu.memory_space<hbm>>
    %dma_wait3A_199 = arith.constant 0 : i32
    %dma_wait3A_200 = arith.constant 0 : i32
    %dma_wait3A_201 = tpu.memref_slice %arg6[%dma_wait3A_190, %dma_wait3A_199, %dma_wait3A_200] : memref<2x32x1024xf32, #tpu.memory_space<vmem>> -> memref<1x32x1024xf32, #tpu.memory_space<vmem>>
    %dma_wait3A_202 = tpu.memref_squeeze %dma_wait3A_201 : memref<1x32x1024xf32, #tpu.memory_space<vmem>> -> memref<32x1024xf32, #tpu.memory_space<vmem>>
    tpu.wait_dma2 semaphore(%arg8 : memref<!tpu.dma_semaphore, #tpu.memory_space<semaphore_mem>>) src(%dma_wait3A_202 : memref<32x1024xf32, #tpu.memory_space<vmem>>) dst(%dma_wait3A_198 : memref<32x1024xf32, #tpu.memory_space<hbm>>)
    %dma_start3A_203 = arith.constant 1 : i32
    %dma_start3A_204 = arith.constant 0 : i32
    %dma_start3A_205 = arith.constant 0 : i32
    %dma_start3A_206 = tpu.memref_slice %arg6[%dma_start3A_203, %dma_start3A_204, %dma_start3A_205] : memref<2x32x1024xf32, #tpu.memory_space<vmem>> -> memref<1x32x1024xf32, #tpu.memory_space<vmem>>
    %dma_start3A_207 = tpu.memref_squeeze %dma_start3A_206 : memref<1x32x1024xf32, #tpu.memory_space<vmem>> -> memref<32x1024xf32, #tpu.memory_space<vmem>>
    %dma_start3A_208 = arith.constant 160 : i32
    %dma_start3A_209 = tpu.memref_slice %arg5[%dma_start3A_208] : memref<256xi32, #tpu.memory_space<vmem>> -> memref<32xi32, #tpu.memory_space<vmem>>
    %dma_start3A_210 = arith.constant 0 : i32
    %dma_start3A_211 = arith.constant 0 : i32
    %dma_start3A_212 = tpu.memref_slice %arg3[%dma_start3A_210, %dma_start3A_211] : memref<30522x1024xf32, #tpu.memory_space<hbm>> -> memref<30522x1024xf32, #tpu.memory_space<hbm>>
    tpu.enqueue_indirect_dma source(%dma_start3A_212 : memref<30522x1024xf32, #tpu.memory_space<hbm>>) target(%dma_start3A_207 : memref<32x1024xf32, #tpu.memory_space<vmem>>) offsets(%dma_start3A_209 : memref<32xi32, #tpu.memory_space<vmem>>) semaphore(%arg7 : memref<!tpu.dma_semaphore, #tpu.memory_space<semaphore_mem>>)
    %dma_wait3A_213 = arith.constant 0 : i32
    %dma_wait3A_214 = arith.constant 0 : i32
    %dma_wait3A_215 = arith.constant 0 : i32
    %dma_wait3A_216 = tpu.memref_slice %arg6[%dma_wait3A_213, %dma_wait3A_214, %dma_wait3A_215] : memref<2x32x1024xf32, #tpu.memory_space<vmem>> -> memref<1x32x1024xf32, #tpu.memory_space<vmem>>
    %dma_wait3A_217 = tpu.memref_squeeze %dma_wait3A_216 : memref<1x32x1024xf32, #tpu.memory_space<vmem>> -> memref<32x1024xf32, #tpu.memory_space<vmem>>
    %dma_wait3A_218 = arith.constant 128 : i32
    %dma_wait3A_219 = tpu.memref_slice %arg5[%dma_wait3A_218] : memref<256xi32, #tpu.memory_space<vmem>> -> memref<32xi32, #tpu.memory_space<vmem>>
    %dma_wait3A_220 = arith.constant 0 : i32
    %dma_wait3A_221 = arith.constant 0 : i32
    %dma_wait3A_222 = tpu.memref_slice %arg3[%dma_wait3A_220, %dma_wait3A_221] : memref<30522x1024xf32, #tpu.memory_space<hbm>> -> memref<30522x1024xf32, #tpu.memory_space<hbm>>
    tpu.wait_indirect_dma semaphore(%arg7 : memref<!tpu.dma_semaphore, #tpu.memory_space<semaphore_mem>>) src(%dma_wait3A_222 : memref<30522x1024xf32, #tpu.memory_space<hbm>>) dst(%dma_wait3A_217 : memref<32x1024xf32, #tpu.memory_space<vmem>>)
    %add3A_223 = arith.constant 128 : i32
    %add3A_224 = arith.addi %mul3A_2, %add3A_223 : i32
    %dma_start3A_225 = arith.constant 0 : i32
    %dma_start3A_226 = arith.constant 0 : i32
    %dma_start3A_227 = arith.constant 0 : i32
    %dma_start3A_228 = tpu.memref_slice %arg6[%dma_start3A_225, %dma_start3A_226, %dma_start3A_227] : memref<2x32x1024xf32, #tpu.memory_space<vmem>> -> memref<1x32x1024xf32, #tpu.memory_space<vmem>>
    %dma_start3A_229 = tpu.memref_squeeze %dma_start3A_228 : memref<1x32x1024xf32, #tpu.memory_space<vmem>> -> memref<32x1024xf32, #tpu.memory_space<vmem>>
    %dma_start3A_230 = arith.constant 0 : i32
    %dma_start3A_231 = tpu.memref_slice %arg4[%add3A_224, %dma_start3A_230] : memref<8192x1024xf32, #tpu.memory_space<hbm>> -> memref<32x1024xf32, #tpu.memory_space<hbm>>
    %dma_start3A_232 = arith.constant 0 : i32
    %dma_start3A_233 = tpu.memref_slice %arg4[%add3A_224, %dma_start3A_232] : memref<8192x1024xf32, #tpu.memory_space<hbm>> -> memref<32x1024xf32, #tpu.memory_space<hbm>>
    %dma_start3A_234 = arith.constant 0 : i32
    %dma_start3A_235 = arith.constant 0 : i32
    %dma_start3A_236 = tpu.memref_slice %arg6[%dma_start3A_225, %dma_start3A_234, %dma_start3A_235] : memref<2x32x1024xf32, #tpu.memory_space<vmem>> -> memref<1x32x1024xf32, #tpu.memory_space<vmem>>
    %dma_start3A_237 = tpu.memref_squeeze %dma_start3A_236 : memref<1x32x1024xf32, #tpu.memory_space<vmem>> -> memref<32x1024xf32, #tpu.memory_space<vmem>>
    tpu.enqueue_dma source(%dma_start3A_237 : memref<32x1024xf32, #tpu.memory_space<vmem>>) target(%dma_start3A_233 : memref<32x1024xf32, #tpu.memory_space<hbm>>) target_semaphore(%arg8 : memref<!tpu.dma_semaphore, #tpu.memory_space<semaphore_mem>>)
    %dma_wait3A_238 = arith.constant 0 : i32
    %dma_wait3A_239 = arith.constant 0 : i32
    %dma_wait3A_240 = arith.constant 0 : i32
    %dma_wait3A_241 = tpu.memref_slice %arg6[%dma_wait3A_238, %dma_wait3A_239, %dma_wait3A_240] : memref<2x32x1024xf32, #tpu.memory_space<vmem>> -> memref<1x32x1024xf32, #tpu.memory_space<vmem>>
    %dma_wait3A_242 = tpu.memref_squeeze %dma_wait3A_241 : memref<1x32x1024xf32, #tpu.memory_space<vmem>> -> memref<32x1024xf32, #tpu.memory_space<vmem>>
    %dma_wait3A_243 = arith.constant 0 : i32
    %dma_wait3A_244 = tpu.memref_slice %arg4[%add3A_224, %dma_wait3A_243] : memref<8192x1024xf32, #tpu.memory_space<hbm>> -> memref<32x1024xf32, #tpu.memory_space<hbm>>
    %dma_wait3A_245 = arith.constant 0 : i32
    %dma_wait3A_246 = tpu.memref_slice %arg4[%add3A_224, %dma_wait3A_245] : memref<8192x1024xf32, #tpu.memory_space<hbm>> -> memref<32x1024xf32, #tpu.memory_space<hbm>>
    %dma_wait3A_247 = arith.constant 0 : i32
    %dma_wait3A_248 = arith.constant 0 : i32
    %dma_wait3A_249 = tpu.memref_slice %arg6[%dma_wait3A_238, %dma_wait3A_247, %dma_wait3A_248] : memref<2x32x1024xf32, #tpu.memory_space<vmem>> -> memref<1x32x1024xf32, #tpu.memory_space<vmem>>
    %dma_wait3A_250 = tpu.memref_squeeze %dma_wait3A_249 : memref<1x32x1024xf32, #tpu.memory_space<vmem>> -> memref<32x1024xf32, #tpu.memory_space<vmem>>
    tpu.wait_dma2 semaphore(%arg8 : memref<!tpu.dma_semaphore, #tpu.memory_space<semaphore_mem>>) src(%dma_wait3A_250 : memref<32x1024xf32, #tpu.memory_space<vmem>>) dst(%dma_wait3A_246 : memref<32x1024xf32, #tpu.memory_space<hbm>>)
    %dma_start3A_251 = arith.constant 0 : i32
    %dma_start3A_252 = arith.constant 0 : i32
    %dma_start3A_253 = arith.constant 0 : i32
    %dma_start3A_254 = tpu.memref_slice %arg6[%dma_start3A_251, %dma_start3A_252, %dma_start3A_253] : memref<2x32x1024xf32, #tpu.memory_space<vmem>> -> memref<1x32x1024xf32, #tpu.memory_space<vmem>>
    %dma_start3A_255 = tpu.memref_squeeze %dma_start3A_254 : memref<1x32x1024xf32, #tpu.memory_space<vmem>> -> memref<32x1024xf32, #tpu.memory_space<vmem>>
    %dma_start3A_256 = arith.constant 192 : i32
    %dma_start3A_257 = tpu.memref_slice %arg5[%dma_start3A_256] : memref<256xi32, #tpu.memory_space<vmem>> -> memref<32xi32, #tpu.memory_space<vmem>>
    %dma_start3A_258 = arith.constant 0 : i32
    %dma_start3A_259 = arith.constant 0 : i32
    %dma_start3A_260 = tpu.memref_slice %arg3[%dma_start3A_258, %dma_start3A_259] : memref<30522x1024xf32, #tpu.memory_space<hbm>> -> memref<30522x1024xf32, #tpu.memory_space<hbm>>
    tpu.enqueue_indirect_dma source(%dma_start3A_260 : memref<30522x1024xf32, #tpu.memory_space<hbm>>) target(%dma_start3A_255 : memref<32x1024xf32, #tpu.memory_space<vmem>>) offsets(%dma_start3A_257 : memref<32xi32, #tpu.memory_space<vmem>>) semaphore(%arg7 : memref<!tpu.dma_semaphore, #tpu.memory_space<semaphore_mem>>)
    %dma_wait3A_261 = arith.constant 1 : i32
    %dma_wait3A_262 = arith.constant 0 : i32
    %dma_wait3A_263 = arith.constant 0 : i32
    %dma_wait3A_264 = tpu.memref_slice %arg6[%dma_wait3A_261, %dma_wait3A_262, %dma_wait3A_263] : memref<2x32x1024xf32, #tpu.memory_space<vmem>> -> memref<1x32x1024xf32, #tpu.memory_space<vmem>>
    %dma_wait3A_265 = tpu.memref_squeeze %dma_wait3A_264 : memref<1x32x1024xf32, #tpu.memory_space<vmem>> -> memref<32x1024xf32, #tpu.memory_space<vmem>>
    %dma_wait3A_266 = arith.constant 160 : i32
    %dma_wait3A_267 = tpu.memref_slice %arg5[%dma_wait3A_266] : memref<256xi32, #tpu.memory_space<vmem>> -> memref<32xi32, #tpu.memory_space<vmem>>
    %dma_wait3A_268 = arith.constant 0 : i32
    %dma_wait3A_269 = arith.constant 0 : i32
    %dma_wait3A_270 = tpu.memref_slice %arg3[%dma_wait3A_268, %dma_wait3A_269] : memref<30522x1024xf32, #tpu.memory_space<hbm>> -> memref<30522x1024xf32, #tpu.memory_space<hbm>>
    tpu.wait_indirect_dma semaphore(%arg7 : memref<!tpu.dma_semaphore, #tpu.memory_space<semaphore_mem>>) src(%dma_wait3A_270 : memref<30522x1024xf32, #tpu.memory_space<hbm>>) dst(%dma_wait3A_265 : memref<32x1024xf32, #tpu.memory_space<vmem>>)
    %add3A_271 = arith.constant 160 : i32
    %add3A_272 = arith.addi %mul3A_2, %add3A_271 : i32
    %dma_start3A_273 = arith.constant 1 : i32
    %dma_start3A_274 = arith.constant 0 : i32
    %dma_start3A_275 = arith.constant 0 : i32
    %dma_start3A_276 = tpu.memref_slice %arg6[%dma_start3A_273, %dma_start3A_274, %dma_start3A_275] : memref<2x32x1024xf32, #tpu.memory_space<vmem>> -> memref<1x32x1024xf32, #tpu.memory_space<vmem>>
    %dma_start3A_277 = tpu.memref_squeeze %dma_start3A_276 : memref<1x32x1024xf32, #tpu.memory_space<vmem>> -> memref<32x1024xf32, #tpu.memory_space<vmem>>
    %dma_start3A_278 = arith.constant 0 : i32
    %dma_start3A_279 = tpu.memref_slice %arg4[%add3A_272, %dma_start3A_278] : memref<8192x1024xf32, #tpu.memory_space<hbm>> -> memref<32x1024xf32, #tpu.memory_space<hbm>>
    %dma_start3A_280 = arith.constant 0 : i32
    %dma_start3A_281 = tpu.memref_slice %arg4[%add3A_272, %dma_start3A_280] : memref<8192x1024xf32, #tpu.memory_space<hbm>> -> memref<32x1024xf32, #tpu.memory_space<hbm>>
    %dma_start3A_282 = arith.constant 0 : i32
    %dma_start3A_283 = arith.constant 0 : i32
    %dma_start3A_284 = tpu.memref_slice %arg6[%dma_start3A_273, %dma_start3A_282, %dma_start3A_283] : memref<2x32x1024xf32, #tpu.memory_space<vmem>> -> memref<1x32x1024xf32, #tpu.memory_space<vmem>>
    %dma_start3A_285 = tpu.memref_squeeze %dma_start3A_284 : memref<1x32x1024xf32, #tpu.memory_space<vmem>> -> memref<32x1024xf32, #tpu.memory_space<vmem>>
    tpu.enqueue_dma source(%dma_start3A_285 : memref<32x1024xf32, #tpu.memory_space<vmem>>) target(%dma_start3A_281 : memref<32x1024xf32, #tpu.memory_space<hbm>>) target_semaphore(%arg8 : memref<!tpu.dma_semaphore, #tpu.memory_space<semaphore_mem>>)
    %dma_wait3A_286 = arith.constant 1 : i32
    %dma_wait3A_287 = arith.constant 0 : i32
    %dma_wait3A_288 = arith.constant 0 : i32
    %dma_wait3A_289 = tpu.memref_slice %arg6[%dma_wait3A_286, %dma_wait3A_287, %dma_wait3A_288] : memref<2x32x1024xf32, #tpu.memory_space<vmem>> -> memref<1x32x1024xf32, #tpu.memory_space<vmem>>
    %dma_wait3A_290 = tpu.memref_squeeze %dma_wait3A_289 : memref<1x32x1024xf32, #tpu.memory_space<vmem>> -> memref<32x1024xf32, #tpu.memory_space<vmem>>
    %dma_wait3A_291 = arith.constant 0 : i32
    %dma_wait3A_292 = tpu.memref_slice %arg4[%add3A_272, %dma_wait3A_291] : memref<8192x1024xf32, #tpu.memory_space<hbm>> -> memref<32x1024xf32, #tpu.memory_space<hbm>>
    %dma_wait3A_293 = arith.constant 0 : i32
    %dma_wait3A_294 = tpu.memref_slice %arg4[%add3A_272, %dma_wait3A_293] : memref<8192x1024xf32, #tpu.memory_space<hbm>> -> memref<32x1024xf32, #tpu.memory_space<hbm>>
    %dma_wait3A_295 = arith.constant 0 : i32
    %dma_wait3A_296 = arith.constant 0 : i32
    %dma_wait3A_297 = tpu.memref_slice %arg6[%dma_wait3A_286, %dma_wait3A_295, %dma_wait3A_296] : memref<2x32x1024xf32, #tpu.memory_space<vmem>> -> memref<1x32x1024xf32, #tpu.memory_space<vmem>>
    %dma_wait3A_298 = tpu.memref_squeeze %dma_wait3A_297 : memref<1x32x1024xf32, #tpu.memory_space<vmem>> -> memref<32x1024xf32, #tpu.memory_space<vmem>>
    tpu.wait_dma2 semaphore(%arg8 : memref<!tpu.dma_semaphore, #tpu.memory_space<semaphore_mem>>) src(%dma_wait3A_298 : memref<32x1024xf32, #tpu.memory_space<vmem>>) dst(%dma_wait3A_294 : memref<32x1024xf32, #tpu.memory_space<hbm>>)
    %dma_start3A_299 = arith.constant 1 : i32
    %dma_start3A_300 = arith.constant 0 : i32
    %dma_start3A_301 = arith.constant 0 : i32
    %dma_start3A_302 = tpu.memref_slice %arg6[%dma_start3A_299, %dma_start3A_300, %dma_start3A_301] : memref<2x32x1024xf32, #tpu.memory_space<vmem>> -> memref<1x32x1024xf32, #tpu.memory_space<vmem>>
    %dma_start3A_303 = tpu.memref_squeeze %dma_start3A_302 : memref<1x32x1024xf32, #tpu.memory_space<vmem>> -> memref<32x1024xf32, #tpu.memory_space<vmem>>
    %dma_start3A_304 = arith.constant 224 : i32
    %dma_start3A_305 = tpu.memref_slice %arg5[%dma_start3A_304] : memref<256xi32, #tpu.memory_space<vmem>> -> memref<32xi32, #tpu.memory_space<vmem>>
    %dma_start3A_306 = arith.constant 0 : i32
    %dma_start3A_307 = arith.constant 0 : i32
    %dma_start3A_308 = tpu.memref_slice %arg3[%dma_start3A_306, %dma_start3A_307] : memref<30522x1024xf32, #tpu.memory_space<hbm>> -> memref<30522x1024xf32, #tpu.memory_space<hbm>>
    tpu.enqueue_indirect_dma source(%dma_start3A_308 : memref<30522x1024xf32, #tpu.memory_space<hbm>>) target(%dma_start3A_303 : memref<32x1024xf32, #tpu.memory_space<vmem>>) offsets(%dma_start3A_305 : memref<32xi32, #tpu.memory_space<vmem>>) semaphore(%arg7 : memref<!tpu.dma_semaphore, #tpu.memory_space<semaphore_mem>>)
    %dma_wait3A_309 = arith.constant 0 : i32
    %dma_wait3A_310 = arith.constant 0 : i32
    %dma_wait3A_311 = arith.constant 0 : i32
    %dma_wait3A_312 = tpu.memref_slice %arg6[%dma_wait3A_309, %dma_wait3A_310, %dma_wait3A_311] : memref<2x32x1024xf32, #tpu.memory_space<vmem>> -> memref<1x32x1024xf32, #tpu.memory_space<vmem>>
    %dma_wait3A_313 = tpu.memref_squeeze %dma_wait3A_312 : memref<1x32x1024xf32, #tpu.memory_space<vmem>> -> memref<32x1024xf32, #tpu.memory_space<vmem>>
    %dma_wait3A_314 = arith.constant 192 : i32
    %dma_wait3A_315 = tpu.memref_slice %arg5[%dma_wait3A_314] : memref<256xi32, #tpu.memory_space<vmem>> -> memref<32xi32, #tpu.memory_space<vmem>>
    %dma_wait3A_316 = arith.constant 0 : i32
    %dma_wait3A_317 = arith.constant 0 : i32
    %dma_wait3A_318 = tpu.memref_slice %arg3[%dma_wait3A_316, %dma_wait3A_317] : memref<30522x1024xf32, #tpu.memory_space<hbm>> -> memref<30522x1024xf32, #tpu.memory_space<hbm>>
    tpu.wait_indirect_dma semaphore(%arg7 : memref<!tpu.dma_semaphore, #tpu.memory_space<semaphore_mem>>) src(%dma_wait3A_318 : memref<30522x1024xf32, #tpu.memory_space<hbm>>) dst(%dma_wait3A_313 : memref<32x1024xf32, #tpu.memory_space<vmem>>)
    %add3A_319 = arith.constant 192 : i32
    %add3A_320 = arith.addi %mul3A_2, %add3A_319 : i32
    %dma_start3A_321 = arith.constant 0 : i32
    %dma_start3A_322 = arith.constant 0 : i32
    %dma_start3A_323 = arith.constant 0 : i32
    %dma_start3A_324 = tpu.memref_slice %arg6[%dma_start3A_321, %dma_start3A_322, %dma_start3A_323] : memref<2x32x1024xf32, #tpu.memory_space<vmem>> -> memref<1x32x1024xf32, #tpu.memory_space<vmem>>
    %dma_start3A_325 = tpu.memref_squeeze %dma_start3A_324 : memref<1x32x1024xf32, #tpu.memory_space<vmem>> -> memref<32x1024xf32, #tpu.memory_space<vmem>>
    %dma_start3A_326 = arith.constant 0 : i32
    %dma_start3A_327 = tpu.memref_slice %arg4[%add3A_320, %dma_start3A_326] : memref<8192x1024xf32, #tpu.memory_space<hbm>> -> memref<32x1024xf32, #tpu.memory_space<hbm>>
    %dma_start3A_328 = arith.constant 0 : i32
    %dma_start3A_329 = tpu.memref_slice %arg4[%add3A_320, %dma_start3A_328] : memref<8192x1024xf32, #tpu.memory_space<hbm>> -> memref<32x1024xf32, #tpu.memory_space<hbm>>
    %dma_start3A_330 = arith.constant 0 : i32
    %dma_start3A_331 = arith.constant 0 : i32
    %dma_start3A_332 = tpu.memref_slice %arg6[%dma_start3A_321, %dma_start3A_330, %dma_start3A_331] : memref<2x32x1024xf32, #tpu.memory_space<vmem>> -> memref<1x32x1024xf32, #tpu.memory_space<vmem>>
    %dma_start3A_333 = tpu.memref_squeeze %dma_start3A_332 : memref<1x32x1024xf32, #tpu.memory_space<vmem>> -> memref<32x1024xf32, #tpu.memory_space<vmem>>
    tpu.enqueue_dma source(%dma_start3A_333 : memref<32x1024xf32, #tpu.memory_space<vmem>>) target(%dma_start3A_329 : memref<32x1024xf32, #tpu.memory_space<hbm>>) target_semaphore(%arg8 : memref<!tpu.dma_semaphore, #tpu.memory_space<semaphore_mem>>)
    %dma_wait3A_334 = arith.constant 1 : i32
    %dma_wait3A_335 = arith.constant 0 : i32
    %dma_wait3A_336 = arith.constant 0 : i32
    %dma_wait3A_337 = tpu.memref_slice %arg6[%dma_wait3A_334, %dma_wait3A_335, %dma_wait3A_336] : memref<2x32x1024xf32, #tpu.memory_space<vmem>> -> memref<1x32x1024xf32, #tpu.memory_space<vmem>>
    %dma_wait3A_338 = tpu.memref_squeeze %dma_wait3A_337 : memref<1x32x1024xf32, #tpu.memory_space<vmem>> -> memref<32x1024xf32, #tpu.memory_space<vmem>>
    %dma_wait3A_339 = arith.constant 224 : i32
    %dma_wait3A_340 = tpu.memref_slice %arg5[%dma_wait3A_339] : memref<256xi32, #tpu.memory_space<vmem>> -> memref<32xi32, #tpu.memory_space<vmem>>
    %dma_wait3A_341 = arith.constant 0 : i32
    %dma_wait3A_342 = arith.constant 0 : i32
    %dma_wait3A_343 = tpu.memref_slice %arg3[%dma_wait3A_341, %dma_wait3A_342] : memref<30522x1024xf32, #tpu.memory_space<hbm>> -> memref<30522x1024xf32, #tpu.memory_space<hbm>>
    tpu.wait_indirect_dma semaphore(%arg7 : memref<!tpu.dma_semaphore, #tpu.memory_space<semaphore_mem>>) src(%dma_wait3A_343 : memref<30522x1024xf32, #tpu.memory_space<hbm>>) dst(%dma_wait3A_338 : memref<32x1024xf32, #tpu.memory_space<vmem>>)
    %add3A_344 = arith.constant 224 : i32
    %add3A_345 = arith.addi %mul3A_2, %add3A_344 : i32
    %dma_start3A_346 = arith.constant 1 : i32
    %dma_start3A_347 = arith.constant 0 : i32
    %dma_start3A_348 = arith.constant 0 : i32
    %dma_start3A_349 = tpu.memref_slice %arg6[%dma_start3A_346, %dma_start3A_347, %dma_start3A_348] : memref<2x32x1024xf32, #tpu.memory_space<vmem>> -> memref<1x32x1024xf32, #tpu.memory_space<vmem>>
    %dma_start3A_350 = tpu.memref_squeeze %dma_start3A_349 : memref<1x32x1024xf32, #tpu.memory_space<vmem>> -> memref<32x1024xf32, #tpu.memory_space<vmem>>
    %dma_start3A_351 = arith.constant 0 : i32
    %dma_start3A_352 = tpu.memref_slice %arg4[%add3A_345, %dma_start3A_351] : memref<8192x1024xf32, #tpu.memory_space<hbm>> -> memref<32x1024xf32, #tpu.memory_space<hbm>>
    %dma_start3A_353 = arith.constant 0 : i32
    %dma_start3A_354 = tpu.memref_slice %arg4[%add3A_345, %dma_start3A_353] : memref<8192x1024xf32, #tpu.memory_space<hbm>> -> memref<32x1024xf32, #tpu.memory_space<hbm>>
    %dma_start3A_355 = arith.constant 0 : i32
    %dma_start3A_356 = arith.constant 0 : i32
    %dma_start3A_357 = tpu.memref_slice %arg6[%dma_start3A_346, %dma_start3A_355, %dma_start3A_356] : memref<2x32x1024xf32, #tpu.memory_space<vmem>> -> memref<1x32x1024xf32, #tpu.memory_space<vmem>>
    %dma_start3A_358 = tpu.memref_squeeze %dma_start3A_357 : memref<1x32x1024xf32, #tpu.memory_space<vmem>> -> memref<32x1024xf32, #tpu.memory_space<vmem>>
    tpu.enqueue_dma source(%dma_start3A_358 : memref<32x1024xf32, #tpu.memory_space<vmem>>) target(%dma_start3A_354 : memref<32x1024xf32, #tpu.memory_space<hbm>>) target_semaphore(%arg8 : memref<!tpu.dma_semaphore, #tpu.memory_space<semaphore_mem>>)
    %dma_wait3A_359 = arith.constant 0 : i32
    %dma_wait3A_360 = arith.constant 0 : i32
    %dma_wait3A_361 = arith.constant 0 : i32
    %dma_wait3A_362 = tpu.memref_slice %arg6[%dma_wait3A_359, %dma_wait3A_360, %dma_wait3A_361] : memref<2x32x1024xf32, #tpu.memory_space<vmem>> -> memref<1x32x1024xf32, #tpu.memory_space<vmem>>
    %dma_wait3A_363 = tpu.memref_squeeze %dma_wait3A_362 : memref<1x32x1024xf32, #tpu.memory_space<vmem>> -> memref<32x1024xf32, #tpu.memory_space<vmem>>
    %dma_wait3A_364 = arith.constant 0 : i32
    %dma_wait3A_365 = tpu.memref_slice %arg4[%add3A_320, %dma_wait3A_364] : memref<8192x1024xf32, #tpu.memory_space<hbm>> -> memref<32x1024xf32, #tpu.memory_space<hbm>>
    %dma_wait3A_366 = arith.constant 0 : i32
    %dma_wait3A_367 = tpu.memref_slice %arg4[%add3A_320, %dma_wait3A_366] : memref<8192x1024xf32, #tpu.memory_space<hbm>> -> memref<32x1024xf32, #tpu.memory_space<hbm>>
    %dma_wait3A_368 = arith.constant 0 : i32
    %dma_wait3A_369 = arith.constant 0 : i32
    %dma_wait3A_370 = tpu.memref_slice %arg6[%dma_wait3A_359, %dma_wait3A_368, %dma_wait3A_369] : memref<2x32x1024xf32, #tpu.memory_space<vmem>> -> memref<1x32x1024xf32, #tpu.memory_space<vmem>>
    %dma_wait3A_371 = tpu.memref_squeeze %dma_wait3A_370 : memref<1x32x1024xf32, #tpu.memory_space<vmem>> -> memref<32x1024xf32, #tpu.memory_space<vmem>>
    tpu.wait_dma2 semaphore(%arg8 : memref<!tpu.dma_semaphore, #tpu.memory_space<semaphore_mem>>) src(%dma_wait3A_371 : memref<32x1024xf32, #tpu.memory_space<vmem>>) dst(%dma_wait3A_367 : memref<32x1024xf32, #tpu.memory_space<hbm>>)
    %dma_wait3A_372 = arith.constant 1 : i32
    %dma_wait3A_373 = arith.constant 0 : i32
    %dma_wait3A_374 = arith.constant 0 : i32
    %dma_wait3A_375 = tpu.memref_slice %arg6[%dma_wait3A_372, %dma_wait3A_373, %dma_wait3A_374] : memref<2x32x1024xf32, #tpu.memory_space<vmem>> -> memref<1x32x1024xf32, #tpu.memory_space<vmem>>
    %dma_wait3A_376 = tpu.memref_squeeze %dma_wait3A_375 : memref<1x32x1024xf32, #tpu.memory_space<vmem>> -> memref<32x1024xf32, #tpu.memory_space<vmem>>
    %dma_wait3A_377 = arith.constant 0 : i32
    %dma_wait3A_378 = tpu.memref_slice %arg4[%add3A_345, %dma_wait3A_377] : memref<8192x1024xf32, #tpu.memory_space<hbm>> -> memref<32x1024xf32, #tpu.memory_space<hbm>>
    %dma_wait3A_379 = arith.constant 0 : i32
    %dma_wait3A_380 = tpu.memref_slice %arg4[%add3A_345, %dma_wait3A_379] : memref<8192x1024xf32, #tpu.memory_space<hbm>> -> memref<32x1024xf32, #tpu.memory_space<hbm>>
    %dma_wait3A_381 = arith.constant 0 : i32
    %dma_wait3A_382 = arith.constant 0 : i32
    %dma_wait3A_383 = tpu.memref_slice %arg6[%dma_wait3A_372, %dma_wait3A_381, %dma_wait3A_382] : memref<2x32x1024xf32, #tpu.memory_space<vmem>> -> memref<1x32x1024xf32, #tpu.memory_space<vmem>>
    %dma_wait3A_384 = tpu.memref_squeeze %dma_wait3A_383 : memref<1x32x1024xf32, #tpu.memory_space<vmem>> -> memref<32x1024xf32, #tpu.memory_space<vmem>>
    tpu.wait_dma2 semaphore(%arg8 : memref<!tpu.dma_semaphore, #tpu.memory_space<semaphore_mem>>) src(%dma_wait3A_384 : memref<32x1024xf32, #tpu.memory_space<vmem>>) dst(%dma_wait3A_380 : memref<32x1024xf32, #tpu.memory_space<hbm>>)
    return
  }
}

module attributes {stable_mosaic.version = 14 : i64} {
  func.func @_tc_ln_body(%arg0: i32, %arg1: i32, %arg2: memref<1024x1024xf32, #tpu.memory_space<vmem>>, %arg3: memref<1024x1024xf32, #tpu.memory_space<vmem>>, %arg4: memref<1x1x1024xi32, #tpu.memory_space<vmem>>, %arg5: memref<2x1024xf32, #tpu.memory_space<vmem>>, %arg6: memref<1x1024xf32, #tpu.memory_space<vmem>>, %arg7: memref<1x1024xf32, #tpu.memory_space<vmem>>, %arg8: memref<1x1024x1024xf32, #tpu.memory_space<vmem>>) attributes {dimension_semantics = [#tpu.dimension_semantics<arbitrary>, #tpu.dimension_semantics<arbitrary>], iteration_bounds = array<i64: 2, 4>, scalar_prefetch = 0 : i64, scratch_operands = 0 : i64, tpu.core_type = #tpu.core_type<tc>, window_params = [{transform_indices = @transform_0, window_bounds = array<i64: 1024, 1024>}, {transform_indices = @transform_1, window_bounds = array<i64: 1024, 1024>}, {transform_indices = @transform_2, window_bounds = array<i64: 1, 1, 1024>}, {pipeline_mode = #tpu.pipeline_mode<synchronous>, transform_indices = @transform_3, window_bounds = array<i64: 2, 1024>}, {pipeline_mode = #tpu.pipeline_mode<synchronous>, transform_indices = @transform_4, window_bounds = array<i64: 1, 1024>}, {pipeline_mode = #tpu.pipeline_mode<synchronous>, transform_indices = @transform_5, window_bounds = array<i64: 1, 1024>}, {transform_indices = @transform_6, window_bounds = array<i64: 1, 1024, 1024>}]} {
    %get3A = arith.constant 0 : index
    %get3A_0 = arith.constant 0 : index
    %get3A_1 = vector.load %arg2[%get3A, %get3A_0] : memref<1024x1024xf32, #tpu.memory_space<vmem>>, vector<1024x1024xf32>
    %get3A_2 = arith.constant 0 : index
    %get3A_3 = arith.constant 0 : index
    %get3A_4 = vector.load %arg3[%get3A_2, %get3A_3] : memref<1024x1024xf32, #tpu.memory_space<vmem>>, vector<1024x1024xf32>
    %add3A = arith.addf %get3A_1, %get3A_4 : vector<1024x1024xf32>
    %get3A_5 = arith.constant 0 : index
    %get3A_6 = arith.constant 0 : index
    %get3A_7 = arith.constant 0 : index
    %get3A_8 = vector.load %arg4[%get3A_5, %get3A_6, %get3A_7] : memref<1x1x1024xi32, #tpu.memory_space<vmem>>, vector<1x1x1024xi32>
    %get3A_9 = vector.shape_cast %get3A_8 : vector<1x1x1024xi32> to vector<1024xi32>
    %jit3A = arith.constant 0 : i32
    %jit3A_10 = arith.constant 1 : i32
    %max3A = vector.broadcast %jit3A : i32 to vector<1024xi32>
    %max3A_11 = arith.maxsi %max3A, %get3A_9 : vector<1024xi32>
    %min3A = vector.broadcast %jit3A_10 : i32 to vector<1024xi32>
    %min3A_12 = arith.minsi %min3A, %max3A_11 : vector<1024xi32>
    %convert_element_type3A = arith.sitofp %min3A_12 : vector<1024xi32> to vector<1024xf32>
    %broadcast_in_dim3A = vector.shape_cast %convert_element_type3A : vector<1024xf32> to vector<1024x1xf32>
    %get3A_13 = arith.constant 0 : index
    %get3A_14 = arith.constant 0 : index
    %get3A_15 = vector.load %arg5[%get3A_13, %get3A_14] : memref<2x1024xf32, #tpu.memory_space<vmem>>, vector<1x1024xf32>
    %get3A_16 = vector.shape_cast %get3A_15 : vector<1x1024xf32> to vector<1024xf32>
    %broadcast_in_dim3A_17 = vector.shape_cast %get3A_16 : vector<1024xf32> to vector<1x1024xf32>
    %get3A_18 = arith.constant 1 : index
    %get3A_19 = arith.constant 0 : index
    %get3A_20 = vector.load %arg5[%get3A_18, %get3A_19] : memref<2x1024xf32, #tpu.memory_space<vmem>>, vector<1x1024xf32>
    %get3A_21 = vector.shape_cast %get3A_20 : vector<1x1024xf32> to vector<1024xf32>
    %broadcast_in_dim3A_22 = vector.shape_cast %get3A_21 : vector<1024xf32> to vector<1x1024xf32>
    %add3A_23 = vector.broadcast %broadcast_in_dim3A_17 : vector<1x1024xf32> to vector<1024x1024xf32>
    %add3A_24 = arith.addf %add3A, %add3A_23 : vector<1024x1024xf32>
    %sub3A = arith.subf %broadcast_in_dim3A_22, %broadcast_in_dim3A_17 : vector<1x1024xf32>
    %mul3A = vector.broadcast %broadcast_in_dim3A : vector<1024x1xf32> to vector<1024x1024xf32>
    %mul3A_25 = vector.broadcast %sub3A : vector<1x1024xf32> to vector<1024x1024xf32>
    %mul3A_26 = arith.mulf %mul3A, %mul3A_25 : vector<1024x1024xf32>
    %add3A_27 = arith.addf %add3A_24, %mul3A_26 : vector<1024x1024xf32>
    %reduce_sum3A = arith.constant dense<0.000000e+00> : vector<1024xf32>
    %reduce_sum3A_28 = vector.multi_reduction <add>, %add3A_27, %reduce_sum3A [1] : vector<1024x1024xf32> to vector<1024xf32>
    %broadcast_in_dim3A_29 = vector.shape_cast %reduce_sum3A_28 : vector<1024xf32> to vector<1024x1xf32>
    %div3A = arith.constant 1.024000e+03 : f32
    %div3A_30 = vector.broadcast %div3A : f32 to vector<1024x1xf32>
    %div3A_31 = arith.divf %broadcast_in_dim3A_29, %div3A_30 : vector<1024x1xf32>
    %sub3A_32 = vector.broadcast %div3A_31 : vector<1024x1xf32> to vector<1024x1024xf32>
    %sub3A_33 = arith.subf %add3A_27, %sub3A_32 : vector<1024x1024xf32>
    %mul3A_34 = arith.mulf %sub3A_33, %sub3A_33 : vector<1024x1024xf32>
    %reduce_sum3A_35 = arith.constant dense<0.000000e+00> : vector<1024xf32>
    %reduce_sum3A_36 = vector.multi_reduction <add>, %mul3A_34, %reduce_sum3A_35 [1] : vector<1024x1024xf32> to vector<1024xf32>
    %broadcast_in_dim3A_37 = vector.shape_cast %reduce_sum3A_36 : vector<1024xf32> to vector<1024x1xf32>
    %div3A_38 = arith.constant 1.024000e+03 : f32
    %div3A_39 = vector.broadcast %div3A_38 : f32 to vector<1024x1xf32>
    %div3A_40 = arith.divf %broadcast_in_dim3A_37, %div3A_39 : vector<1024x1xf32>
    %add3A_41 = arith.constant 9.99999996E-13 : f32
    %add3A_42 = vector.broadcast %add3A_41 : f32 to vector<1024x1xf32>
    %add3A_43 = arith.addf %div3A_40, %add3A_42 : vector<1024x1xf32>
    %rsqrt3A = math.rsqrt %add3A_43 : vector<1024x1xf32>
    %mul3A_44 = vector.broadcast %rsqrt3A : vector<1024x1xf32> to vector<1024x1024xf32>
    %mul3A_45 = arith.mulf %sub3A_33, %mul3A_44 : vector<1024x1024xf32>
    %get3A_46 = arith.constant 0 : index
    %get3A_47 = arith.constant 0 : index
    %get3A_48 = vector.load %arg6[%get3A_46, %get3A_47] : memref<1x1024xf32, #tpu.memory_space<vmem>>, vector<1x1024xf32>
    %get3A_49 = vector.shape_cast %get3A_48 : vector<1x1024xf32> to vector<1024xf32>
    %broadcast_in_dim3A_50 = vector.shape_cast %get3A_49 : vector<1024xf32> to vector<1x1024xf32>
    %mul3A_51 = vector.broadcast %broadcast_in_dim3A_50 : vector<1x1024xf32> to vector<1024x1024xf32>
    %mul3A_52 = arith.mulf %mul3A_45, %mul3A_51 : vector<1024x1024xf32>
    %get3A_53 = arith.constant 0 : index
    %get3A_54 = arith.constant 0 : index
    %get3A_55 = vector.load %arg7[%get3A_53, %get3A_54] : memref<1x1024xf32, #tpu.memory_space<vmem>>, vector<1x1024xf32>
    %get3A_56 = vector.shape_cast %get3A_55 : vector<1x1024xf32> to vector<1024xf32>
    %broadcast_in_dim3A_57 = vector.shape_cast %get3A_56 : vector<1024xf32> to vector<1x1024xf32>
    %add3A_58 = vector.broadcast %broadcast_in_dim3A_57 : vector<1x1024xf32> to vector<1024x1024xf32>
    %add3A_59 = arith.addf %mul3A_52, %add3A_58 : vector<1024x1024xf32>
    %swap3A = arith.constant 0 : index
    %swap3A_60 = arith.constant 0 : index
    %swap3A_61 = arith.constant 0 : index
    %swap3A_62 = vector.load %arg8[%swap3A, %swap3A_60, %swap3A_61] : memref<1x1024x1024xf32, #tpu.memory_space<vmem>>, vector<1x1024x1024xf32>
    %swap3A_63 = vector.shape_cast %swap3A_62 : vector<1x1024x1024xf32> to vector<1024x1024xf32>
    %swap3A_64 = vector.shape_cast %add3A_59 : vector<1024x1024xf32> to vector<1x1024x1024xf32>
    tpu.vector_store %arg8[%swap3A, %swap3A_60, %swap3A_61], %swap3A_64 {strides = array<i32>} : memref<1x1024x1024xf32, #tpu.memory_space<vmem>>, vector<1x1024x1024xf32>,
    return
  }
  func.func @transform_0(%arg0: i32, %arg1: i32) -> (i32, i32) {
    %mul3A = arith.constant 2 : i32
    %mul3A_0 = arith.muli %arg1, %mul3A : i32
    %add3A = arith.addi %mul3A_0, %arg0 : i32
    %c0_i32 = arith.constant 0 : i32
    %c0_i32_1 = arith.constant 0 : i32
    return %add3A, %c0_i32 : i32, i32
  }
  func.func @transform_1(%arg0: i32, %arg1: i32) -> (i32, i32) {
    %c0_i32 = arith.constant 0 : i32
    %c0_i32_0 = arith.constant 0 : i32
    return %arg0, %c0_i32 : i32, i32
  }
  func.func @transform_2(%arg0: i32, %arg1: i32) -> (i32, i32, i32) {
    %mul3A = arith.constant 2 : i32
    %mul3A_0 = arith.muli %arg1, %mul3A : i32
    %add3A = arith.addi %mul3A_0, %arg0 : i32
    %c0_i32 = arith.constant 0 : i32
    %c0_i32_1 = arith.constant 0 : i32
    %c0_i32_2 = arith.constant 0 : i32
    return %add3A, %c0_i32, %c0_i32_1 : i32, i32, i32
  }
  func.func @transform_3(%arg0: i32, %arg1: i32) -> (i32, i32) {
    %c0_i32 = arith.constant 0 : i32
    %c0_i32_0 = arith.constant 0 : i32
    %c0_i32_1 = arith.constant 0 : i32
    return %c0_i32, %c0_i32_0 : i32, i32
  }
  func.func @transform_4(%arg0: i32, %arg1: i32) -> (i32, i32) {
    %c0_i32 = arith.constant 0 : i32
    %c0_i32_0 = arith.constant 0 : i32
    %c0_i32_1 = arith.constant 0 : i32
    return %c0_i32, %c0_i32_0 : i32, i32
  }
  func.func @transform_5(%arg0: i32, %arg1: i32) -> (i32, i32) {
    %c0_i32 = arith.constant 0 : i32
    %c0_i32_0 = arith.constant 0 : i32
    %c0_i32_1 = arith.constant 0 : i32
    return %c0_i32, %c0_i32_0 : i32, i32
  }
  func.func @transform_6(%arg0: i32, %arg1: i32) -> (i32, i32, i32) {
    %c0_i32 = arith.constant 0 : i32
    %c0_i32_0 = arith.constant 0 : i32
    return %arg1, %arg0, %c0_i32 : i32, i32, i32
  }
}

</mosaic_0001>

<sc_bundles>
// kernel: kernel.4.cloned.1.call-start
scs
__scs_entry_jumppad:
0x0: {  	(pc) =	sbr.rel $0x88, $3  }
0x1: {  	(tag) =	ssettag $0x0;
	lr =	simm.s32 $0x1  }
0x2: {  	[smem:$0x3F9A] =	sst lr;
	_ =	strace $0xD0000000  }
0x3: {  	_ = 	snop  }
0x4: {  	_ = 	snop  }
0x5: {  	_ = 	snop  }
0x6: {  	_ = 	snop  }
0x7: {  	_ = 	snop  }
__scs_overlays_trampoline_lowered:
0x8: {  	[smem:$0x3FA9] =	sst s0  }
0x9: {  	[smem:$0x3FAA] =	sst s1  }
0xa: {  	[smem:$0x3FAB] =	sst s2  }
0xb: {  	[smem:$0x3FAC] =	sst s3  }
0xc: {  	[smem:$0x3FAD] =	sst s4  }
0xd: {  	[smem:$0x3FAE] =	sst s5  }
0xe: {  	[smem:$0x3FAF] =	sst s6  }
0xf: {  	[smem:$0x3FB0] =	sst s7  }
0x10: {  	[smem:$0x3FB1] =	sst s8  }
0x11: {  	[smem:$0x3FB2] =	sst s9;
	s0 =	simm.s32 @!p0 $0x0  }
0x12: {  	s1 =	sld [smem:$0x3F98];
	s0 =	simm.s32 @p0 $0x1  }
0x13: {  	[smem:$0x3FB3] =	sst s0;
	s0 =	simm.s32 @!p1 $0x0  }
0x14: {  	s2 =	sld [smem:$0x3F97];
	s0 =	simm.s32 @p1 $0x1  }
0x15: {  	[smem:$0x3FB4] =	sst s0;
	s0 =	simm.s32 @!p2 $0x0  }
0x16: {  	s3 =	sld [smem:$0x3FDB];
	s0 =	simm.s32 @p2 $0x1  }
0x17: {  	s4 =	simm.s32 $0x1BF5;
	[smem:$0x3FB6] =	sst s0  }
0x18: {  	s0 =	sld [smem:$0x3F99];
	_ =	swait.ge [sflag:s4], $0x0  }
0x19: {  	s7 =	sld [smem:$0x3F9A]  }
0x1a: {  	s8 =	sadd.s32 $0xFFFFE003, lr  }
0x1b: {  	s9 =	sadd.s32 $0xFFFFFEF7, lr;
	s5 =	simm.s32 $0xFFFFFFFF;
	p2 =	slt.u32 s8, $0xFFFFF086  }
0x1c: {  	p1 =	slt.u32 s9, $0xF7A;
	s5 =	simm.s32 @!p2 $0x0  }
0x1d: {  	s5 =	simm.s32 @p1 $0x1;
	p0 =	seq.s32 s7, s2  }
0x1e: {  	s7 =	smul.u32 @!p0 $0xF7A, s2;
	p2 =	seq.s32 @!p0 s5, $0x0  }
0x1f: {  	s9 =	smul.u32 $0xF7A, s1;
	s8 =	simm.s32 @!p0 $0x1BF5;
	p2 =	por !p2, p0  }
0x20: {  	[sflag:s8] =	ssyncset.s32 @!p0 $0xFFFFF086;
	s6 =	sadd.s32 @!p0 s3, s7;
	s7 =	simm.s32 @!p0 $0x108  }
0x21: {  	s3 =	sadd.s32 s3, s9;
	s6 =	sadd.s32 @!p0 $0x88, s6;
	s7 =	simm.s32 @p2 $0x1082  }
0x22: {  	[simem:s7], [sflag:s8] =	dma.local @!p0 [hbm:s6], $0xF7A  }
0x23: {  	s9 =	sor.u32 $0xD0000000, s2;
	s6 =	simm.s32 $0x108;
	_ =	swait.ge @!p0 [sflag:s8], $0x0  }
0x24: {  	s3 =	sadd.s32 $0x88, s3;
	s6 =	simm.s32 @!p1 $0x1082;
	[sflag:s4] =	ssyncset.s32 $0xFFFFF086  }
0x25: {  	[simem:s6], [sflag:s4] =	dma.local [hbm:s3], $0xF7A  }
0x26: {  	[smem:$0x3F9A] =	sst s1;
	(tag) =	ssettag s2;
	_ =	strace s9  }
0x27: {  	s1 =	sld [smem:$0x3FAA]  }
0x28: {  	s2 =	sld [smem:$0x3FAB]  }
0x29: {  	s4 =	sld [smem:$0x3FAD]  }
0x2a: {  	p0 =	seq.s32 s5, $0x0;
	s5 =	sld [smem:$0x3FAE]  }
0x2b: {  	s6 =	sld [smem:$0x3FAF]  }
0x2c: {  	s7 =	sld [smem:$0x3FB0]  }
0x2d: {  	s3 =	simm.s32 $0x108;
	s8 =	sld [smem:$0x3FB1]  }
0x2e: {  	s3 =	simm.s32 @!p0 $0x1082;
	s9 =	sld [smem:$0x3FB2]  }
0x2f: {  	lr =	sadd.s32 s0, s3;
	s0 =	sld [smem:$0x3FA9]  }
0x30: {  	s3 =	sld [smem:$0x3FAC]  }
0x31: {  	[smem:$0x3FB5] =	sst s10  }
0x32: {  	s10 =	sld [smem:$0x3FB3];
	_ =	sdelay $0x3  }
0x33: {  	p0 =	seq.s32 s10, $0x1;
	s10 =	sld [smem:$0x3FB5];
	_ =	sdelay $0x3  }
0x34: {  	[smem:$0x3FB5] =	sst s10  }
0x35: {  	s10 =	sld [smem:$0x3FB4];
	_ =	sdelay $0x3  }
0x36: {  	p1 =	seq.s32 s10, $0x1;
	s10 =	sld [smem:$0x3FB5];
	_ =	sdelay $0x3  }
0x37: {  	[smem:$0x3FB5] =	sst s10  }
0x38: {  	s10 =	sld [smem:$0x3FB6]  }
0x39: {  	_ = 	snop;
	(pc) =	sbr.ind lr, $3  }
0x3a: {  	_ = 	snop  }
0x3b: {  	_ = 	snop  }
0x3c: {  	p2 =	seq.s32 s10, $0x1;
	s10 =	sld [smem:$0x3FB5]  }
0x3d: {  	_ =	shalt  }
0x3e: {  	_ =	shalt  }
0x3f: {  	_ =	shalt  }
0x40: {  	_ =	shalt  }
0x41: {  	_ =	shalt  }
0x42: {  	_ =	shalt  }
0x43: {  	_ =	shalt  }
0x44: {  	_ =	shalt  }
0x45: {  	_ =	shalt  }
0x46: {  	_ =	shalt  }
0x47: {  	_ =	shalt  }
0x48: {  	_ =	shalt  }
0x49: {  	_ =	shalt  }
0x4a: {  	_ =	shalt  }
0x4b: {  	_ =	shalt  }
0x4c: {  	_ =	shalt  }
0x4d: {  	_ =	shalt  }
0x4e: {  	_ =	shalt  }
0x4f: {  	_ =	shalt  }
0x50: {  	_ =	shalt  }
0x51: {  	_ =	shalt  }
0x52: {  	_ =	shalt  }
0x53: {  	_ =	shalt  }
0x54: {  	_ =	shalt  }
0x55: {  	_ =	shalt  }
0x56: {  	_ =	shalt  }
0x57: {  	_ =	shalt  }
0x58: {  	_ =	shalt  }
0x59: {  	_ =	shalt  }
0x5a: {  	_ =	shalt  }
0x5b: {  	_ =	shalt  }
0x5c: {  	_ =	shalt  }
0x5d: {  	_ =	shalt  }
0x5e: {  	_ =	shalt  }
0x5f: {  	_ =	shalt  }
0x60: {  	_ =	shalt  }
0x61: {  	_ =	shalt  }
0x62: {  	_ =	shalt  }
0x63: {  	_ =	shalt  }
0x64: {  	_ =	shalt  }
0x65: {  	_ =	shalt  }
0x66: {  	_ =	shalt  }
0x67: {  	_ =	shalt  }
0x68: {  	_ =	shalt  }
0x69: {  	_ =	shalt  }
0x6a: {  	_ =	shalt  }
0x6b: {  	_ =	shalt  }
0x6c: {  	_ =	shalt  }
0x6d: {  	_ =	shalt  }
0x6e: {  	_ =	shalt  }
0x6f: {  	_ =	shalt  }
0x70: {  	_ =	shalt  }
0x71: {  	_ =	shalt  }
0x72: {  	_ =	shalt  }
0x73: {  	_ =	shalt  }
0x74: {  	_ =	shalt  }
0x75: {  	_ =	shalt  }
0x76: {  	_ =	shalt  }
0x77: {  	_ =	shalt  }
0x78: {  	_ =	shalt  }
0x79: {  	_ =	shalt  }
0x7a: {  	_ =	shalt  }
0x7b: {  	_ =	shalt  }
0x7c: {  	_ =	shalt  }
0x7d: {  	_ =	shalt  }
0x7e: {  	_ =	shalt  }
0x7f: {  	_ =	shalt  }
0x80: {  	_ =	shalt  }
0x81: {  	_ =	shalt  }
0x82: {  	_ =	shalt  }
0x83: {  	_ =	shalt  }
0x84: {  	_ =	shalt  }
0x85: {  	_ =	shalt  }
0x86: {  	_ =	shalt  }
0x87: {  	_ =	shalt  }
.Lfunc_end0:
.L_simem_size_0:
called_computation_lowered:
.L_overlay_start_0:
0x88: {  	s2 =	sld [smem:$0x3FD9]  }
0x89: {  	s3 =	sld [smem:$0x3FFE];
	_ =	sdelay $0x1  }
0x8a: {  	s1 =	srdreg.scid  }
0x8b: {  	s0 =	sand.u32 $0x1, s1  }
0x8c: {  	s17 =	sshll.u32 s0, $0xA;
	s2 =	sadd.s32 s3, s2  }
0x8d: {  	s2 =	sadd.s32 s2, s17  }
0x8e: {  	[smem:$0x3FC1] =	sst s2  }
0x8f: {  	_ = 	snop  }
0x90: {  	s2 =	sld [smem:$0x3FC7]  }
0x91: {  	s18 =	sld [smem:$0x3FD0];
	(tm) =	ssettm $0x1  }
0x92: {  	s4 =	sld [smem:$0x3FFB];
	_ =	sdelay $0x3  }
0x93: {  	_ =	strace s4  }
0x94: {  	s4 =	sld [smem:$0x3FFC];
	_ =	sdelay $0x3  }
0x95: {  	_ =	strace s4  }
0x96: {  	s4 =	sld [smem:$0x3FFD];
	_ =	sdelay $0x3  }
0x97: {  	_ =	strace s4  }
0x98: {  	_ =	strace $0x8FFFFFFF  }
0x99: {  	s19 =	sld [smem:$0x3FDB];
	_ =	sdelay $0x1  }
0x9a: {  	s5 =	simm.s32 $_scs_section_size  }
0x9b: {  	s6 =	simm.s32 $_size__tile_overlayer_lowered;
	s7 =	simm.s32 $_tile_overlayer_lowered  }
0x9c: {  	s22 =	simm.s32 $0x1BFF;
	s21 =	sshll.u32 s7, $0x1;
	s4 =	sadd.s32 s5, s19  }
0x9d: {  	s8 =	simm.s32 $0x0;
	s20 =	sshll.u32 s6, $0x1;
	s6 =	sadd.s32 s21, s4  }
0x9e: {  	[timem:s8], [sflag:s22] =	dma.local [hbm:s6], s20  }
0x9f: {  	_ =	swait.ge [sflag:s22], s20  }
0xa0: {  	s5 =	ssub.s32 $0x0, s20;
	[sflag:s22] =	ssyncset.done $0x0  }
0xa1: {  	[sflag:s22] =	ssyncadd.s32 s5;
	_ =	sdelay $0x1  }
0xa2: {  	s23 =	simm.s32 $0x1B8B  }
0xa3: {  	_ =	swait.ge [sflag:s23], $0x1  }
0xa4: {  	[sflag:s23] =	ssyncset.done $0x0  }
0xa5: {  	s25 =	simm.s32 $0x1B8E;
	s24 =	sld [smem:$0x3FFE];
	[sflag:s23] =	ssyncadd.s32 $0xFFFFFFFF  }
0xa6: {  	s26 =	simm.s32 $execute0_lowered;
	[smem:$0x3FD2] =	sst s25  }
0xa7: {  	s6 =	sshll.u32 s26, $0x1;
	_ =	strace $0x80000046;
	[dreg:$0x1] =	wrdreg $0xFFFFFFFF  }
0xa8: {  	s28 =	simm.s32 $_size_execute0_lowered;
	s4 =	sadd.s32 s4, s6;
	[dreg:$0x0] =	wrdreg $0x0  }
0xa9: {  	s6 =	sshll.u32 s28, $0x1;
	[dreg:$0x2] =	wrdreg s4  }
0xaa: {  	[dreg:$0x3] =	wrdreg s6  }
0xab: {  	[dreg:$0x4] =	wrdreg $0xC0  }
0xac: {  	_ =	task [dreg:s8], $0x5FFFF  }
0xad: {  	[dreg:$0x1] =	wrdreg $0xFFFFFFFF  }
0xae: {  	[dreg:$0x0] =	wrdreg $0x60  }
0xaf: {  	[dreg:$0x2] =	wrdreg s18  }
0xb0: {  	[dreg:$0x3] =	wrdreg s2  }
0xb1: {  	[dreg:$0x4] =	wrdreg s24  }
0xb2: {  	[dreg:$0x5] =	wrdreg $0x9  }
0xb3: {  	_ =	task.clear_ibuf [dreg:s8], $0x6FFFF;
	_ =	strace $0x90000046  }
0xb4: {  	s29 =	simm.s32 $0x9;
	_ =	strace $0x80000048  }
0xb5: {  	_ =	swait.ge [sflag:s29], $0x1  }
0xb6: {  	[sflag:s29] =	ssyncadd.s32 $0xFFFFFFFF  }
0xb7: {  	_ =	strace $0x90000048  }
0xb8: {  	_ =	sfence  }
0xb9: {  	s30 =	sld [smem:$0x0];
	_ =	sdelay $0x2  }
0xba: {  	s31 =	sshll.u32 s1, $0xD;
	s1 =	sshrl.u32 s1, $0x2  }
0xbb: {  	s3 =	sand.u32 $0x4000, s31;
	s1 =	sadd.s32 s1, s30  }
0xbc: {  	s0 =	sor.u32 s3, s0;
	s1 =	sshll.u32 s1, $0x11  }
0xbd: {  	s0 =	sor.u32 s1, s0  }
0xbe: {  	s0 =	sadd.s32 $0x8F2B, s0  }
0xbf: {  	[sflag:s0] =	ssyncadd.remote.s32 $0x1  }
0xc0: {  	_ =	sfence.sel $0xFFFF  }
0xc1: {  	[dreg:$0x0] =	wrdreg $0xFFFFFFFF;
	(pc) =	sbr.abs _section_cstart, $3  }
0xc2: {  	[dreg:$0x1] =	wrdreg $0xFFFFFFFF  }
0xc3: {  	_ =	task.clear_ibuf [dreg:s8], $0x2FFFF;
	_ =	strace $0x9FFFFFFF  }
0xc4: {  	(tm) =	ssettm $0x7FFFFFFF  }
0xc5: {  	_ =	shalt  }
tec
execute0_lowered:
.L_overlay_start_1:
0x0: {  	(tag) =	ssettag $0x1  }
0x1: {  	s0 =	rddreg [dreg:$0x0];
	s1 =	srdreg.scid  }
0x2: {  	s2 =	rddreg [dreg:$0x1];
	s3 =	stileid.u32  }
0x3: {  	s4 =	rddreg [dreg:$0x2];
	s9 =	simm.s32 $0x100;
	s17 =	simm.s32 $0x1  }
0x4: {  	s28 =	simm.s32 $0x3900;
	s29 =	simm.s32 $0x4100;
	s30 =	simm.s32 $0x4900  }
0x5: {  	s31 =	simm.s32 $0x5100;
	s14 =	simm.s32 $0x5900;
	s1 =	sand.u32 $0x1, s1  }
0x6: {  	s13 =	simm.s32 $0x6100;
	s5 =	sshll.u32 s3, $0x9;
	s6 =	sshll.u32 s1, $0x8  }
0x7: {  	s15 =	simm.s32 $0x6900;
	s11 =	simm.s32 $0x7900;
	s5 =	sor.u32 s6, s5  }
0x8: {  	s3 =	simm.s32 $0x0;
	s6 =	sshll.u32 s5, $0x7;
	s5 =	sshrl.u32 s5, $0x3  }
0x9: {  	[smem:$0x7FF] =	sst s3;
	s6 =	sadd.s32 s6, s4;
	s0 =	sadd.s32 s0, s5  }
0xa: {  	_ =	strace $0x80000047;
	[dreg:$0x4] =	wrdreg s0;
	s18 =	sadd.s32 $0xE00, s6  }
0xb: {  	s1 =	ssub.s32 $0x2, s1;
	s19 =	sadd.s32 $0x1E00, s6;
	[dreg:$0x5] =	wrdreg s18  }
0xc: {  	s23 =	sshrl.u32 s1, $0x1;
	s20 =	sadd.s32 $0x2E00, s6;
	[dreg:$0x6] =	wrdreg s19  }
0xd: {  	s1 =	ssub.s32 s1, s23;
	s21 =	sadd.s32 $0x3E00, s6;
	[dreg:$0x7] =	wrdreg s20  }
0xe: {  	s23 =	simm.s32 $0x2100;
	s22 =	sadd.s32 $0x4E00, s6;
	[dreg:$0x8] =	wrdreg s21  }
0xf: {  	s4 =	sadd.s32 $0x100, s2;
	s24 =	sadd.s32 $0x5E00, s6;
	[dreg:$0x9] =	wrdreg s22  }
0x10: {  	s5 =	sadd.s32 $0x200, s2;
	s25 =	sadd.s32 $0x6E00, s6;
	[dreg:$0xa] =	wrdreg s24  }
0x11: {  	s7 =	smax.u32 s1, $0x1;
	s26 =	sadd.s32 $0x7E00, s6;
	[dreg:$0xb] =	wrdreg s25  }
0x12: {  	v2 =	vlaneseq.u32;
	s6 =	sadd.s32 $0x300, s2;
	[dreg:$0xc] =	wrdreg s26;
	s25 =	simm.s32 $0x8100  }
0x13: {  	vm0 =	vmmov $0xffff;
	v1 =	vshrl.u32 v2, $0x3;
	s18 =	simm.s32 $0x2;
	s20 =	simm.s32 $0x900;
	s21 =	simm.s32 $0x1100  }
0x14: {  	v0 =	vand.u32 $0x7, v2;
	v2 =	vor.u32 $0x8, v2;
	v1 =	vmul.u32 $0x8, v1;
	s22 =	simm.s32 $0x1900;
	s24 =	simm.s32 $0x2900;
	s26 =	simm.s32 $0x3100  }
.LBB2_1:
0x15: {  	s19 =	rddreg [dreg:$0x4];
	s12 =	simm.s32 $0x3  }
0x16: {  	[tilespmem:s3], [sflag:$0x3] =	stream.linear.gather [hbm4b:s19+s3], $0x100, $0x38;
	[tilespmem:$0x10100] =	vst v63  }
0x17: {  	_ =	swait.ge [sflag:s12], $0x100  }
0x18: {  	[sflag:s12] =	ssyncset.done $0x0  }
0x19: {  	[sflag:s12] =	ssyncadd.s32 $0xFFFFFF00  }
0x1a: {  	v3 =	vld [tilespmem:$0x0];
	_ =	sdelay $0x4  }
0x1b: {  	v4 =	vshll.u32 v3, $0x3  }
0x1c: {  	v3 =	vand.u32 $0x7, v3;
	v4 =	vand.u32 $0xFFFFFFC0, v4  }
0x1d: {  	v3 =	vor.u32 v3, v4  }
0x1e: {  	v4 =	vperm.xlane v3, v0;
	_ =	sdelay $0x1  }
0x1f: {  	v4 =	vadd.s32 v1, v4;
	_ =	sdelay $0x4  }
0x20: {  	[tilespmem:s9], [sflag:$0x1] =	stream.indirect_vreg.gather [hbm4b:s2+s3], $0x80, v4, vm0, $0xb8;
	[tilespmem:$0x10100] =	vst v63  }
0x21: {  	v3 =	vperm.xlane v3, v2  }
0x22: {  	[tilespmem:s20], [sflag:$0x1] =	stream.indirect_vreg.gather [hbm4b:s4+s3], $0x80, v4, vm0, $0xb8;
	[tilespmem:$0x10100] =	vst v63  }
0x23: {  	v3 =	vadd.s32 v1, v3  }
0x24: {  	[tilespmem:s21], [sflag:$0x1] =	stream.indirect_vreg.gather [hbm4b:s5+s3], $0x80, v4, vm0, $0xb8;
	[tilespmem:$0x10100] =	vst v63  }
0x25: {  	_ = 	snop  }
0x26: {  	[tilespmem:s22], [sflag:$0x1] =	stream.indirect_vreg.gather [hbm4b:s6+s3], $0x80, v4, vm0, $0xb8;
	[tilespmem:$0x10100] =	vst v63  }
0x27: {  	_ = 	snop  }
0x28: {  	[tilespmem:s23], [sflag:$0x1] =	stream.indirect_vreg.gather [hbm4b:s2+s3], $0x80, v3, vm0, $0xb8;
	[tilespmem:$0x10100] =	vst v63  }
0x29: {  	_ = 	snop  }
0x2a: {  	[tilespmem:s24], [sflag:$0x1] =	stream.indirect_vreg.gather [hbm4b:s4+s3], $0x80, v3, vm0, $0xb8;
	[tilespmem:$0x10100] =	vst v63  }
0x2b: {  	_ = 	snop  }
0x2c: {  	[tilespmem:s26], [sflag:$0x1] =	stream.indirect_vreg.gather [hbm4b:s5+s3], $0x80, v3, vm0, $0xb8;
	[tilespmem:$0x10100] =	vst v63  }
0x2d: {  	_ = 	snop  }
0x2e: {  	[tilespmem:s28], [sflag:$0x1] =	stream.indirect_vreg.gather [hbm4b:s6+s3], $0x80, v3, vm0, $0xb8;
	[tilespmem:$0x10100] =	vst v63  }
0x2f: {  	v3 =	vld [tilespmem:$0x10];
	_ =	sdelay $0x4  }
0x30: {  	v49 =	vshll.u32 v3, $0x3  }
0x31: {  	v3 =	vand.u32 $0x7, v3;
	v4 =	vand.u32 $0xFFFFFFC0, v49  }
0x32: {  	v3 =	vor.u32 v3, v4  }
0x33: {  	v4 =	vperm.xlane v3, v0;
	_ =	sdelay $0x1  }
0x34: {  	v4 =	vadd.s32 v1, v4;
	_ =	sdelay $0x4  }
0x35: {  	[tilespmem:s29], [sflag:$0x1] =	stream.indirect_vreg.gather [hbm4b:s2+s3], $0x80, v4, vm0, $0xb8;
	[tilespmem:$0x10100] =	vst v63  }
0x36: {  	v3 =	vperm.xlane v3, v2  }
0x37: {  	[tilespmem:s30], [sflag:$0x1] =	stream.indirect_vreg.gather [hbm4b:s4+s3], $0x80, v4, vm0, $0xb8;
	[tilespmem:$0x10100] =	vst v63  }
0x38: {  	v3 =	vadd.s32 v1, v3  }
0x39: {  	[tilespmem:s31], [sflag:$0x1] =	stream.indirect_vreg.gather [hbm4b:s5+s3], $0x80, v4, vm0, $0xb8;
	[tilespmem:$0x10100] =	vst v63  }
0x3a: {  	_ = 	snop  }
0x3b: {  	[tilespmem:s14], [sflag:$0x1] =	stream.indirect_vreg.gather [hbm4b:s6+s3], $0x80, v4, vm0, $0xb8;
	[tilespmem:$0x10100] =	vst v63  }
0x3c: {  	_ = 	snop  }
0x3d: {  	[tilespmem:s13], [sflag:$0x1] =	stream.indirect_vreg.gather [hbm4b:s2+s3], $0x80, v3, vm0, $0xb8;
	[tilespmem:$0x10100] =	vst v63  }
0x3e: {  	_ = 	snop  }
0x3f: {  	[tilespmem:s15], [sflag:$0x1] =	stream.indirect_vreg.gather [hbm4b:s4+s3], $0x80, v3, vm0, $0xb8;
	[tilespmem:$0x10100] =	vst v63  }
0x40: {  	s10 =	simm.s32 $0x7100  }
0x41: {  	[tilespmem:s10], [sflag:$0x1] =	stream.indirect_vreg.gather [hbm4b:s5+s3], $0x80, v3, vm0, $0xb8;
	[tilespmem:$0x10100] =	vst v63  }
0x42: {  	_ = 	snop  }
0x43: {  	[tilespmem:s11], [sflag:$0x1] =	stream.indirect_vreg.gather [hbm4b:s6+s3], $0x80, v3, vm0, $0xb8;
	[tilespmem:$0x10100] =	vst v63  }
0x44: {  	v3 =	vld [tilespmem:$0x20];
	_ =	sdelay $0x4  }
0x45: {  	v50 =	vshll.u32 v3, $0x3  }
0x46: {  	v3 =	vand.u32 $0x7, v3;
	v4 =	vand.u32 $0xFFFFFFC0, v50  }
0x47: {  	v3 =	vor.u32 v3, v4  }
0x48: {  	v4 =	vperm.xlane v3, v0;
	_ =	sdelay $0x1  }
0x49: {  	v4 =	vadd.s32 v1, v4;
	_ =	sdelay $0x4  }
0x4a: {  	[tilespmem:s25], [sflag:$0x1] =	stream.indirect_vreg.gather [hbm4b:s2+s3], $0x80, v4, vm0, $0xb8;
	[tilespmem:$0x10100] =	vst v63  }
0x4b: {  	s12 =	simm.s32 $0x8900;
	v3 =	vperm.xlane v3, v2  }
0x4c: {  	[tilespmem:s12], [sflag:$0x1] =	stream.indirect_vreg.gather [hbm4b:s4+s3], $0x80, v4, vm0, $0xb8;
	[tilespmem:$0x10100] =	vst v63  }
0x4d: {  	s16 =	simm.s32 $0x9100;
	v3 =	vadd.s32 v1, v3  }
0x4e: {  	[tilespmem:s16], [sflag:$0x1] =	stream.indirect_vreg.gather [hbm4b:s5+s3], $0x80, v4, vm0, $0xb8;
	[tilespmem:$0x10100] =	vst v63  }
0x4f: {  	s19 =	simm.s32 $0x9900  }
0x50: {  	[tilespmem:s19], [sflag:$0x1] =	stream.indirect_vreg.gather [hbm4b:s6+s3], $0x80, v4, vm0, $0xb8;
	[tilespmem:$0x10100] =	vst v63  }
0x51: {  	s1 =	simm.s32 $0xA100  }
0x52: {  	[tilespmem:s1], [sflag:$0x1] =	stream.indirect_vreg.gather [hbm4b:s2+s3], $0x80, v3, vm0, $0xb8;
	[tilespmem:$0x10100] =	vst v63  }
0x53: {  	s8 =	simm.s32 $0xA900  }
0x54: {  	[tilespmem:s8], [sflag:$0x1] =	stream.indirect_vreg.gather [hbm4b:s4+s3], $0x80, v3, vm0, $0xb8;
	[tilespmem:$0x10100] =	vst v63  }
0x55: {  	s12 =	simm.s32 $0xB100  }
0x56: {  	[tilespmem:s12], [sflag:$0x1] =	stream.indirect_vreg.gather [hbm4b:s5+s3], $0x80, v3, vm0, $0xb8;
	[tilespmem:$0x10100] =	vst v63  }
0x57: {  	s16 =	simm.s32 $0xB900  }
0x58: {  	[tilespmem:s16], [sflag:$0x1] =	stream.indirect_vreg.gather [hbm4b:s6+s3], $0x80, v3, vm0, $0xb8;
	[tilespmem:$0x10100] =	vst v63  }
0x59: {  	v3 =	vld [tilespmem:$0x30];
	_ =	sdelay $0x4  }
0x5a: {  	v51 =	vshll.u32 v3, $0x3  }
0x5b: {  	v3 =	vand.u32 $0x7, v3;
	v4 =	vand.u32 $0xFFFFFFC0, v51  }
0x5c: {  	v3 =	vor.u32 v3, v4  }
0x5d: {  	v4 =	vperm.xlane v3, v0;
	_ =	sdelay $0x1  }
0x5e: {  	v4 =	vadd.s32 v1, v4;
	_ =	sdelay $0x3  }
0x5f: {  	s1 =	simm.s32 $0xC100  }
0x60: {  	[tilespmem:s1], [sflag:$0x1] =	stream.indirect_vreg.gather [hbm4b:s2+s3], $0x80, v4, vm0, $0xb8;
	[tilespmem:$0x10100] =	vst v63  }
0x61: {  	s8 =	simm.s32 $0xC900;
	v3 =	vperm.xlane v3, v2  }
0x62: {  	[tilespmem:s8], [sflag:$0x1] =	stream.indirect_vreg.gather [hbm4b:s4+s3], $0x80, v4, vm0, $0xb8;
	[tilespmem:$0x10100] =	vst v63  }
0x63: {  	v3 =	vadd.s32 v1, v3;
	s1 =	simm.s32 $0xD100  }
0x64: {  	[tilespmem:s1], [sflag:$0x1] =	stream.indirect_vreg.gather [hbm4b:s5+s3], $0x80, v4, vm0, $0xb8;
	[tilespmem:$0x10100] =	vst v63  }
0x65: {  	s8 =	simm.s32 $0xD900  }
0x66: {  	[tilespmem:s8], [sflag:$0x1] =	stream.indirect_vreg.gather [hbm4b:s6+s3], $0x80, v4, vm0, $0xb8;
	[tilespmem:$0x10100] =	vst v63  }
0x67: {  	s1 =	simm.s32 $0xE100  }
0x68: {  	[tilespmem:s1], [sflag:$0x1] =	stream.indirect_vreg.gather [hbm4b:s2+s3], $0x80, v3, vm0, $0xb8;
	[tilespmem:$0x10100] =	vst v63  }
0x69: {  	s8 =	simm.s32 $0xE900  }
0x6a: {  	[tilespmem:s8], [sflag:$0x1] =	stream.indirect_vreg.gather [hbm4b:s4+s3], $0x80, v3, vm0, $0xb8;
	[tilespmem:$0x10100] =	vst v63  }
0x6b: {  	s1 =	simm.s32 $0xF100  }
0x6c: {  	[tilespmem:s1], [sflag:$0x1] =	stream.indirect_vreg.gather [hbm4b:s5+s3], $0x80, v3, vm0, $0xb8;
	[tilespmem:$0x10100] =	vst v63  }
0x6d: {  	s8 =	simm.s32 $0xF900  }
0x6e: {  	[tilespmem:s8], [sflag:$0x1] =	stream.indirect_vreg.gather [hbm4b:s6+s3], $0x80, v3, vm0, $0xb8;
	[tilespmem:$0x10100] =	vst v63  }
0x6f: {  	_ =	swait.ge [sflag:s17], $0x8000  }
0x70: {  	[sflag:s17] =	ssyncset.done $0x0  }
0x71: {  	s1 =	rddreg [dreg:$0x5];
	[sflag:s17] =	ssyncadd.s32 $0xFFFF8000  }
0x72: {  	[hbm4b:s1+s3] =	stream.linear.scatter [tilespmem:s9], [sflag:$0x2], $0x8000, $0x38;
	[tilespmem:$0x10100] =	vst v63  }
0x73: {  	_ =	swait.ge [sflag:s18], $0x8000  }
0x74: {  	[sflag:s18] =	ssyncset.done $0x0  }
0x75: {  	[sflag:s18] =	ssyncadd.s32 $0xFFFF8000  }
0x76: {  	v3 =	vld [tilespmem:$0x40];
	_ =	sdelay $0x4  }
0x77: {  	v52 =	vshll.u32 v3, $0x3  }
0x78: {  	v3 =	vand.u32 $0x7, v3;
	v4 =	vand.u32 $0xFFFFFFC0, v52  }
0x79: {  	v3 =	vor.u32 v3, v4  }
0x7a: {  	v4 =	vperm.xlane v3, v0;
	_ =	sdelay $0x1  }
0x7b: {  	v4 =	vadd.s32 v1, v4;
	_ =	sdelay $0x4  }
0x7c: {  	[tilespmem:s9], [sflag:$0x1] =	stream.indirect_vreg.gather [hbm4b:s2+s3], $0x80, v4, vm0, $0xb8;
	[tilespmem:$0x10100] =	vst v63  }
0x7d: {  	v3 =	vperm.xlane v3, v2  }
0x7e: {  	[tilespmem:s20], [sflag:$0x1] =	stream.indirect_vreg.gather [hbm4b:s4+s3], $0x80, v4, vm0, $0xb8;
	[tilespmem:$0x10100] =	vst v63  }
0x7f: {  	v3 =	vadd.s32 v1, v3  }
0x80: {  	[tilespmem:s21], [sflag:$0x1] =	stream.indirect_vreg.gather [hbm4b:s5+s3], $0x80, v4, vm0, $0xb8;
	[tilespmem:$0x10100] =	vst v63  }
0x81: {  	_ = 	snop  }
0x82: {  	[tilespmem:s22], [sflag:$0x1] =	stream.indirect_vreg.gather [hbm4b:s6+s3], $0x80, v4, vm0, $0xb8;
	[tilespmem:$0x10100] =	vst v63  }
0x83: {  	_ = 	snop  }
0x84: {  	[tilespmem:s23], [sflag:$0x1] =	stream.indirect_vreg.gather [hbm4b:s2+s3], $0x80, v3, vm0, $0xb8;
	[tilespmem:$0x10100] =	vst v63  }
0x85: {  	_ = 	snop  }
0x86: {  	[tilespmem:s24], [sflag:$0x1] =	stream.indirect_vreg.gather [hbm4b:s4+s3], $0x80, v3, vm0, $0xb8;
	[tilespmem:$0x10100] =	vst v63  }
0x87: {  	_ = 	snop  }
0x88: {  	[tilespmem:s26], [sflag:$0x1] =	stream.indirect_vreg.gather [hbm4b:s5+s3], $0x80, v3, vm0, $0xb8;
	[tilespmem:$0x10100] =	vst v63  }
0x89: {  	_ = 	snop  }
0x8a: {  	[tilespmem:s28], [sflag:$0x1] =	stream.indirect_vreg.gather [hbm4b:s6+s3], $0x80, v3, vm0, $0xb8;
	[tilespmem:$0x10100] =	vst v63  }
0x8b: {  	v3 =	vld [tilespmem:$0x50];
	_ =	sdelay $0x4  }
0x8c: {  	v53 =	vshll.u32 v3, $0x3  }
0x8d: {  	v3 =	vand.u32 $0x7, v3;
	v4 =	vand.u32 $0xFFFFFFC0, v53  }
0x8e: {  	v3 =	vor.u32 v3, v4  }
0x8f: {  	v4 =	vperm.xlane v3, v0;
	_ =	sdelay $0x1  }
0x90: {  	v4 =	vadd.s32 v1, v4;
	_ =	sdelay $0x4  }
0x91: {  	[tilespmem:s29], [sflag:$0x1] =	stream.indirect_vreg.gather [hbm4b:s2+s3], $0x80, v4, vm0, $0xb8;
	[tilespmem:$0x10100] =	vst v63  }
0x92: {  	v3 =	vperm.xlane v3, v2  }
0x93: {  	[tilespmem:s30], [sflag:$0x1] =	stream.indirect_vreg.gather [hbm4b:s4+s3], $0x80, v4, vm0, $0xb8;
	[tilespmem:$0x10100] =	vst v63  }
0x94: {  	v3 =	vadd.s32 v1, v3  }
0x95: {  	[tilespmem:s31], [sflag:$0x1] =	stream.indirect_vreg.gather [hbm4b:s5+s3], $0x80, v4, vm0, $0xb8;
	[tilespmem:$0x10100] =	vst v63  }
0x96: {  	_ = 	snop  }
0x97: {  	[tilespmem:s14], [sflag:$0x1] =	stream.indirect_vreg.gather [hbm4b:s6+s3], $0x80, v4, vm0, $0xb8;
	[tilespmem:$0x10100] =	vst v63  }
0x98: {  	_ = 	snop  }
0x99: {  	[tilespmem:s13], [sflag:$0x1] =	stream.indirect_vreg.gather [hbm4b:s2+s3], $0x80, v3, vm0, $0xb8;
	[tilespmem:$0x10100] =	vst v63  }
0x9a: {  	_ = 	snop  }
0x9b: {  	[tilespmem:s15], [sflag:$0x1] =	stream.indirect_vreg.gather [hbm4b:s4+s3], $0x80, v3, vm0, $0xb8;
	[tilespmem:$0x10100] =	vst v63  }
0x9c: {  	_ = 	snop  }
0x9d: {  	[tilespmem:s10], [sflag:$0x1] =	stream.indirect_vreg.gather [hbm4b:s5+s3], $0x80, v3, vm0, $0xb8;
	[tilespmem:$0x10100] =	vst v63  }
0x9e: {  	_ = 	snop  }
0x9f: {  	[tilespmem:s11], [sflag:$0x1] =	stream.indirect_vreg.gather [hbm4b:s6+s3], $0x80, v3, vm0, $0xb8;
	[tilespmem:$0x10100] =	vst v63  }
0xa0: {  	_ =	swait.ge [sflag:s17], $0x8000  }
0xa1: {  	[sflag:s17] =	ssyncset.done $0x0  }
0xa2: {  	s8 =	rddreg [dreg:$0x6];
	[sflag:s17] =	ssyncadd.s32 $0xFFFF8000  }
0xa3: {  	[hbm4b:s8+s3] =	stream.linear.scatter [tilespmem:s25], [sflag:$0x2], $0x8000, $0x38;
	[tilespmem:$0x10100] =	vst v63  }
0xa4: {  	_ =	swait.ge [sflag:s18], $0x8000  }
0xa5: {  	[sflag:s18] =	ssyncset.done $0x0  }
0xa6: {  	[sflag:s18] =	ssyncadd.s32 $0xFFFF8000  }
0xa7: {  	v3 =	vld [tilespmem:$0x60];
	_ =	sdelay $0x4  }
0xa8: {  	v54 =	vshll.u32 v3, $0x3  }
0xa9: {  	v3 =	vand.u32 $0x7, v3;
	v4 =	vand.u32 $0xFFFFFFC0, v54  }
0xaa: {  	v3 =	vor.u32 v3, v4  }
0xab: {  	v4 =	vperm.xlane v3, v0;
	_ =	sdelay $0x1  }
0xac: {  	v4 =	vadd.s32 v1, v4;
	_ =	sdelay $0x4  }
0xad: {  	[tilespmem:s25], [sflag:$0x1] =	stream.indirect_vreg.gather [hbm4b:s2+s3], $0x80, v4, vm0, $0xb8;
	[tilespmem:$0x10100] =	vst v63  }
0xae: {  	s0 =	simm.s32 $0x8900;
	v3 =	vperm.xlane v3, v2  }
0xaf: {  	[tilespmem:s0], [sflag:$0x1] =	stream.indirect_vreg.gather [hbm4b:s4+s3], $0x80, v4, vm0, $0xb8;
	[tilespmem:$0x10100] =	vst v63  }
0xb0: {  	v3 =	vadd.s32 v1, v3;
	s0 =	simm.s32 $0x9100  }
0xb1: {  	[tilespmem:s0], [sflag:$0x1] =	stream.indirect_vreg.gather [hbm4b:s5+s3], $0x80, v4, vm0, $0xb8;
	[tilespmem:$0x10100] =	vst v63  }
0xb2: {  	s1 =	simm.s32 $0x9900  }
0xb3: {  	[tilespmem:s1], [sflag:$0x1] =	stream.indirect_vreg.gather [hbm4b:s6+s3], $0x80, v4, vm0, $0xb8;
	[tilespmem:$0x10100] =	vst v63  }
0xb4: {  	s8 =	simm.s32 $0xA100  }
0xb5: {  	[tilespmem:s8], [sflag:$0x1] =	stream.indirect_vreg.gather [hbm4b:s2+s3], $0x80, v3, vm0, $0xb8;
	[tilespmem:$0x10100] =	vst v63  }
0xb6: {  	s19 =	simm.s32 $0xA900  }
0xb7: {  	[tilespmem:s19], [sflag:$0x1] =	stream.indirect_vreg.gather [hbm4b:s4+s3], $0x80, v3, vm0, $0xb8;
	[tilespmem:$0x10100] =	vst v63  }
0xb8: {  	s19 =	simm.s32 $0xB100  }
0xb9: {  	[tilespmem:s19], [sflag:$0x1] =	stream.indirect_vreg.gather [hbm4b:s5+s3], $0x80, v3, vm0, $0xb8;
	[tilespmem:$0x10100] =	vst v63  }
0xba: {  	s12 =	simm.s32 $0xB900  }
0xbb: {  	[tilespmem:s12], [sflag:$0x1] =	stream.indirect_vreg.gather [hbm4b:s6+s3], $0x80, v3, vm0, $0xb8;
	[tilespmem:$0x10100] =	vst v63  }
0xbc: {  	v3 =	vld [tilespmem:$0x70];
	_ =	sdelay $0x4  }
0xbd: {  	v55 =	vshll.u32 v3, $0x3  }
0xbe: {  	v3 =	vand.u32 $0x7, v3;
	v4 =	vand.u32 $0xFFFFFFC0, v55  }
0xbf: {  	v3 =	vor.u32 v3, v4  }
0xc0: {  	v4 =	vperm.xlane v3, v0;
	_ =	sdelay $0x1  }
0xc1: {  	v4 =	vadd.s32 v1, v4;
	_ =	sdelay $0x3  }
0xc2: {  	s16 =	simm.s32 $0xC100  }
0xc3: {  	[tilespmem:s16], [sflag:$0x1] =	stream.indirect_vreg.gather [hbm4b:s2+s3], $0x80, v4, vm0, $0xb8;
	[tilespmem:$0x10100] =	vst v63  }
0xc4: {  	s19 =	simm.s32 $0xC900;
	v3 =	vperm.xlane v3, v2  }
0xc5: {  	[tilespmem:s19], [sflag:$0x1] =	stream.indirect_vreg.gather [hbm4b:s4+s3], $0x80, v4, vm0, $0xb8;
	[tilespmem:$0x10100] =	vst v63  }
0xc6: {  	v3 =	vadd.s32 v1, v3;
	s16 =	simm.s32 $0xD100  }
0xc7: {  	[tilespmem:s16], [sflag:$0x1] =	stream.indirect_vreg.gather [hbm4b:s5+s3], $0x80, v4, vm0, $0xb8;
	[tilespmem:$0x10100] =	vst v63  }
0xc8: {  	s19 =	simm.s32 $0xD900  }
0xc9: {  	[tilespmem:s19], [sflag:$0x1] =	stream.indirect_vreg.gather [hbm4b:s6+s3], $0x80, v4, vm0, $0xb8;
	[tilespmem:$0x10100] =	vst v63  }
0xca: {  	s19 =	simm.s32 $0xE100  }
0xcb: {  	[tilespmem:s19], [sflag:$0x1] =	stream.indirect_vreg.gather [hbm4b:s2+s3], $0x80, v3, vm0, $0xb8;
	[tilespmem:$0x10100] =	vst v63  }
0xcc: {  	s19 =	simm.s32 $0xE900  }
0xcd: {  	[tilespmem:s19], [sflag:$0x1] =	stream.indirect_vreg.gather [hbm4b:s4+s3], $0x80, v3, vm0, $0xb8;
	[tilespmem:$0x10100] =	vst v63  }
0xce: {  	s19 =	simm.s32 $0xF100  }
0xcf: {  	[tilespmem:s19], [sflag:$0x1] =	stream.indirect_vreg.gather [hbm4b:s5+s3], $0x80, v3, vm0, $0xb8;
	[tilespmem:$0x10100] =	vst v63  }
0xd0: {  	s19 =	simm.s32 $0xF900  }
0xd1: {  	[tilespmem:s19], [sflag:$0x1] =	stream.indirect_vreg.gather [hbm4b:s6+s3], $0x80, v3, vm0, $0xb8;
	[tilespmem:$0x10100] =	vst v63  }
0xd2: {  	_ =	swait.ge [sflag:s17], $0x8000  }
0xd3: {  	[sflag:s17] =	ssyncset.done $0x0  }
0xd4: {  	s12 =	rddreg [dreg:$0x7];
	[sflag:s17] =	ssyncadd.s32 $0xFFFF8000  }
0xd5: {  	[hbm4b:s12+s3] =	stream.linear.scatter [tilespmem:s9], [sflag:$0x2], $0x8000, $0x38;
	[tilespmem:$0x10100] =	vst v63  }
0xd6: {  	_ =	swait.ge [sflag:s18], $0x8000  }
0xd7: {  	[sflag:s18] =	ssyncset.done $0x0  }
0xd8: {  	[sflag:s18] =	ssyncadd.s32 $0xFFFF8000  }
0xd9: {  	v3 =	vld [tilespmem:$0x80];
	_ =	sdelay $0x4  }
0xda: {  	v56 =	vshll.u32 v3, $0x3  }
0xdb: {  	v3 =	vand.u32 $0x7, v3;
	v4 =	vand.u32 $0xFFFFFFC0, v56  }
0xdc: {  	v3 =	vor.u32 v3, v4  }
0xdd: {  	v4 =	vperm.xlane v3, v0;
	_ =	sdelay $0x1  }
0xde: {  	v4 =	vadd.s32 v1, v4;
	_ =	sdelay $0x4  }
0xdf: {  	[tilespmem:s9], [sflag:$0x1] =	stream.indirect_vreg.gather [hbm4b:s2+s3], $0x80, v4, vm0, $0xb8;
	[tilespmem:$0x10100] =	vst v63  }
0xe0: {  	v3 =	vperm.xlane v3, v2  }
0xe1: {  	[tilespmem:s20], [sflag:$0x1] =	stream.indirect_vreg.gather [hbm4b:s4+s3], $0x80, v4, vm0, $0xb8;
	[tilespmem:$0x10100] =	vst v63  }
0xe2: {  	v3 =	vadd.s32 v1, v3  }
0xe3: {  	[tilespmem:s21], [sflag:$0x1] =	stream.indirect_vreg.gather [hbm4b:s5+s3], $0x80, v4, vm0, $0xb8;
	[tilespmem:$0x10100] =	vst v63  }
0xe4: {  	_ = 	snop  }
0xe5: {  	[tilespmem:s22], [sflag:$0x1] =	stream.indirect_vreg.gather [hbm4b:s6+s3], $0x80, v4, vm0, $0xb8;
	[tilespmem:$0x10100] =	vst v63  }
0xe6: {  	_ = 	snop  }
0xe7: {  	[tilespmem:s23], [sflag:$0x1] =	stream.indirect_vreg.gather [hbm4b:s2+s3], $0x80, v3, vm0, $0xb8;
	[tilespmem:$0x10100] =	vst v63  }
0xe8: {  	_ = 	snop  }
0xe9: {  	[tilespmem:s24], [sflag:$0x1] =	stream.indirect_vreg.gather [hbm4b:s4+s3], $0x80, v3, vm0, $0xb8;
	[tilespmem:$0x10100] =	vst v63  }
0xea: {  	_ = 	snop  }
0xeb: {  	[tilespmem:s26], [sflag:$0x1] =	stream.indirect_vreg.gather [hbm4b:s5+s3], $0x80, v3, vm0, $0xb8;
	[tilespmem:$0x10100] =	vst v63  }
0xec: {  	_ = 	snop  }
0xed: {  	[tilespmem:s28], [sflag:$0x1] =	stream.indirect_vreg.gather [hbm4b:s6+s3], $0x80, v3, vm0, $0xb8;
	[tilespmem:$0x10100] =	vst v63  }
0xee: {  	v3 =	vld [tilespmem:$0x90];
	_ =	sdelay $0x4  }
0xef: {  	v57 =	vshll.u32 v3, $0x3  }
0xf0: {  	v3 =	vand.u32 $0x7, v3;
	v4 =	vand.u32 $0xFFFFFFC0, v57  }
0xf1: {  	v3 =	vor.u32 v3, v4  }
0xf2: {  	v4 =	vperm.xlane v3, v0;
	_ =	sdelay $0x1  }
0xf3: {  	v4 =	vadd.s32 v1, v4;
	_ =	sdelay $0x4  }
0xf4: {  	[tilespmem:s29], [sflag:$0x1] =	stream.indirect_vreg.gather [hbm4b:s2+s3], $0x80, v4, vm0, $0xb8;
	[tilespmem:$0x10100] =	vst v63  }
0xf5: {  	v3 =	vperm.xlane v3, v2  }
0xf6: {  	[tilespmem:s30], [sflag:$0x1] =	stream.indirect_vreg.gather [hbm4b:s4+s3], $0x80, v4, vm0, $0xb8;
	[tilespmem:$0x10100] =	vst v63  }
0xf7: {  	v3 =	vadd.s32 v1, v3  }
0xf8: {  	[tilespmem:s31], [sflag:$0x1] =	stream.indirect_vreg.gather [hbm4b:s5+s3], $0x80, v4, vm0, $0xb8;
	[tilespmem:$0x10100] =	vst v63  }
0xf9: {  	_ = 	snop  }
0xfa: {  	[tilespmem:s14], [sflag:$0x1] =	stream.indirect_vreg.gather [hbm4b:s6+s3], $0x80, v4, vm0, $0xb8;
	[tilespmem:$0x10100] =	vst v63  }
0xfb: {  	_ = 	snop  }
0xfc: {  	[tilespmem:s13], [sflag:$0x1] =	stream.indirect_vreg.gather [hbm4b:s2+s3], $0x80, v3, vm0, $0xb8;
	[tilespmem:$0x10100] =	vst v63  }
0xfd: {  	_ = 	snop  }
0xfe: {  	[tilespmem:s15], [sflag:$0x1] =	stream.indirect_vreg.gather [hbm4b:s4+s3], $0x80, v3, vm0, $0xb8;
	[tilespmem:$0x10100] =	vst v63  }
0xff: {  	_ = 	snop  }
0x100: {  	[tilespmem:s10], [sflag:$0x1] =	stream.indirect_vreg.gather [hbm4b:s5+s3], $0x80, v3, vm0, $0xb8;
	[tilespmem:$0x10100] =	vst v63  }
0x101: {  	_ = 	snop  }
0x102: {  	[tilespmem:s11], [sflag:$0x1] =	stream.indirect_vreg.gather [hbm4b:s6+s3], $0x80, v3, vm0, $0xb8;
	[tilespmem:$0x10100] =	vst v63  }
0x103: {  	_ =	swait.ge [sflag:s17], $0x8000  }
0x104: {  	[sflag:s17] =	ssyncset.done $0x0  }
0x105: {  	s12 =	rddreg [dreg:$0x8];
	[sflag:s17] =	ssyncadd.s32 $0xFFFF8000  }
0x106: {  	[hbm4b:s12+s3] =	stream.linear.scatter [tilespmem:s25], [sflag:$0x2], $0x8000, $0x38;
	[tilespmem:$0x10100] =	vst v63  }
0x107: {  	_ =	swait.ge [sflag:s18], $0x8000  }
0x108: {  	[sflag:s18] =	ssyncset.done $0x0  }
0x109: {  	[sflag:s18] =	ssyncadd.s32 $0xFFFF8000  }
0x10a: {  	v3 =	vld [tilespmem:$0xA0];
	_ =	sdelay $0x4  }
0x10b: {  	v58 =	vshll.u32 v3, $0x3  }
0x10c: {  	v3 =	vand.u32 $0x7, v3;
	v4 =	vand.u32 $0xFFFFFFC0, v58  }
0x10d: {  	v3 =	vor.u32 v3, v4  }
0x10e: {  	v4 =	vperm.xlane v3, v0;
	_ =	sdelay $0x1  }
0x10f: {  	v4 =	vadd.s32 v1, v4;
	_ =	sdelay $0x4  }
0x110: {  	[tilespmem:s25], [sflag:$0x1] =	stream.indirect_vreg.gather [hbm4b:s2+s3], $0x80, v4, vm0, $0xb8;
	[tilespmem:$0x10100] =	vst v63  }
0x111: {  	s19 =	simm.s32 $0x8900;
	v3 =	vperm.xlane v3, v2  }
0x112: {  	[tilespmem:s19], [sflag:$0x1] =	stream.indirect_vreg.gather [hbm4b:s4+s3], $0x80, v4, vm0, $0xb8;
	[tilespmem:$0x10100] =	vst v63  }
0x113: {  	v3 =	vadd.s32 v1, v3  }
0x114: {  	[tilespmem:s0], [sflag:$0x1] =	stream.indirect_vreg.gather [hbm4b:s5+s3], $0x80, v4, vm0, $0xb8;
	[tilespmem:$0x10100] =	vst v63  }
0x115: {  	_ = 	snop  }
0x116: {  	[tilespmem:s1], [sflag:$0x1] =	stream.indirect_vreg.gather [hbm4b:s6+s3], $0x80, v4, vm0, $0xb8;
	[tilespmem:$0x10100] =	vst v63  }
0x117: {  	_ = 	snop  }
0x118: {  	[tilespmem:s8], [sflag:$0x1] =	stream.indirect_vreg.gather [hbm4b:s2+s3], $0x80, v3, vm0, $0xb8;
	[tilespmem:$0x10100] =	vst v63  }
0x119: {  	s19 =	simm.s32 $0xA900  }
0x11a: {  	[tilespmem:s19], [sflag:$0x1] =	stream.indirect_vreg.gather [hbm4b:s4+s3], $0x80, v3, vm0, $0xb8;
	[tilespmem:$0x10100] =	vst v63  }
0x11b: {  	s19 =	simm.s32 $0xB100  }
0x11c: {  	[tilespmem:s19], [sflag:$0x1] =	stream.indirect_vreg.gather [hbm4b:s5+s3], $0x80, v3, vm0, $0xb8;
	[tilespmem:$0x10100] =	vst v63  }
0x11d: {  	s19 =	simm.s32 $0xB900  }
0x11e: {  	[tilespmem:s19], [sflag:$0x1] =	stream.indirect_vreg.gather [hbm4b:s6+s3], $0x80, v3, vm0, $0xb8;
	[tilespmem:$0x10100] =	vst v63  }
0x11f: {  	v3 =	vld [tilespmem:$0xB0];
	_ =	sdelay $0x4  }
0x120: {  	v59 =	vshll.u32 v3, $0x3  }
0x121: {  	v3 =	vand.u32 $0x7, v3;
	v4 =	vand.u32 $0xFFFFFFC0, v59  }
0x122: {  	v3 =	vor.u32 v3, v4  }
0x123: {  	v4 =	vperm.xlane v3, v0;
	_ =	sdelay $0x1  }
0x124: {  	v4 =	vadd.s32 v1, v4;
	_ =	sdelay $0x3  }
0x125: {  	s19 =	simm.s32 $0xC100  }
0x126: {  	[tilespmem:s19], [sflag:$0x1] =	stream.indirect_vreg.gather [hbm4b:s2+s3], $0x80, v4, vm0, $0xb8;
	[tilespmem:$0x10100] =	vst v63  }
0x127: {  	v3 =	vperm.xlane v3, v2;
	s19 =	simm.s32 $0xC900  }
0x128: {  	[tilespmem:s19], [sflag:$0x1] =	stream.indirect_vreg.gather [hbm4b:s4+s3], $0x80, v4, vm0, $0xb8;
	[tilespmem:$0x10100] =	vst v63  }
0x129: {  	s16 =	simm.s32 $0xD100;
	v3 =	vadd.s32 v1, v3  }
0x12a: {  	[tilespmem:s16], [sflag:$0x1] =	stream.indirect_vreg.gather [hbm4b:s5+s3], $0x80, v4, vm0, $0xb8;
	[tilespmem:$0x10100] =	vst v63  }
0x12b: {  	s19 =	simm.s32 $0xD900  }
0x12c: {  	[tilespmem:s19], [sflag:$0x1] =	stream.indirect_vreg.gather [hbm4b:s6+s3], $0x80, v4, vm0, $0xb8;
	[tilespmem:$0x10100] =	vst v63  }
0x12d: {  	s19 =	simm.s32 $0xE100  }
0x12e: {  	[tilespmem:s19], [sflag:$0x1] =	stream.indirect_vreg.gather [hbm4b:s2+s3], $0x80, v3, vm0, $0xb8;
	[tilespmem:$0x10100] =	vst v63  }
0x12f: {  	s19 =	simm.s32 $0xE900  }
0x130: {  	[tilespmem:s19], [sflag:$0x1] =	stream.indirect_vreg.gather [hbm4b:s4+s3], $0x80, v3, vm0, $0xb8;
	[tilespmem:$0x10100] =	vst v63  }
0x131: {  	s19 =	simm.s32 $0xF100  }
0x132: {  	[tilespmem:s19], [sflag:$0x1] =	stream.indirect_vreg.gather [hbm4b:s5+s3], $0x80, v3, vm0, $0xb8;
	[tilespmem:$0x10100] =	vst v63  }
0x133: {  	s19 =	simm.s32 $0xF900  }
0x134: {  	[tilespmem:s19], [sflag:$0x1] =	stream.indirect_vreg.gather [hbm4b:s6+s3], $0x80, v3, vm0, $0xb8;
	[tilespmem:$0x10100] =	vst v63  }
0x135: {  	_ =	swait.ge [sflag:s17], $0x8000  }
0x136: {  	[sflag:s17] =	ssyncset.done $0x0  }
0x137: {  	s19 =	rddreg [dreg:$0x9];
	[sflag:s17] =	ssyncadd.s32 $0xFFFF8000  }
0x138: {  	[hbm4b:s19+s3] =	stream.linear.scatter [tilespmem:s9], [sflag:$0x2], $0x8000, $0x38;
	[tilespmem:$0x10100] =	vst v63  }
0x139: {  	_ =	swait.ge [sflag:s18], $0x8000  }
0x13a: {  	[sflag:s18] =	ssyncset.done $0x0  }
0x13b: {  	[sflag:s18] =	ssyncadd.s32 $0xFFFF8000  }
0x13c: {  	v3 =	vld [tilespmem:$0xC0];
	_ =	sdelay $0x4  }
0x13d: {  	v60 =	vshll.u32 v3, $0x3  }
0x13e: {  	v3 =	vand.u32 $0x7, v3;
	v4 =	vand.u32 $0xFFFFFFC0, v60  }
0x13f: {  	v3 =	vor.u32 v3, v4  }
0x140: {  	v4 =	vperm.xlane v3, v0;
	_ =	sdelay $0x1  }
0x141: {  	v4 =	vadd.s32 v1, v4;
	_ =	sdelay $0x4  }
0x142: {  	[tilespmem:s9], [sflag:$0x1] =	stream.indirect_vreg.gather [hbm4b:s2+s3], $0x80, v4, vm0, $0xb8;
	[tilespmem:$0x10100] =	vst v63  }
0x143: {  	v3 =	vperm.xlane v3, v2  }
0x144: {  	[tilespmem:s20], [sflag:$0x1] =	stream.indirect_vreg.gather [hbm4b:s4+s3], $0x80, v4, vm0, $0xb8;
	[tilespmem:$0x10100] =	vst v63  }
0x145: {  	v3 =	vadd.s32 v1, v3  }
0x146: {  	[tilespmem:s21], [sflag:$0x1] =	stream.indirect_vreg.gather [hbm4b:s5+s3], $0x80, v4, vm0, $0xb8;
	[tilespmem:$0x10100] =	vst v63  }
0x147: {  	_ = 	snop  }
0x148: {  	[tilespmem:s22], [sflag:$0x1] =	stream.indirect_vreg.gather [hbm4b:s6+s3], $0x80, v4, vm0, $0xb8;
	[tilespmem:$0x10100] =	vst v63  }
0x149: {  	_ = 	snop  }
0x14a: {  	[tilespmem:s23], [sflag:$0x1] =	stream.indirect_vreg.gather [hbm4b:s2+s3], $0x80, v3, vm0, $0xb8;
	[tilespmem:$0x10100] =	vst v63  }
0x14b: {  	_ = 	snop  }
0x14c: {  	[tilespmem:s24], [sflag:$0x1] =	stream.indirect_vreg.gather [hbm4b:s4+s3], $0x80, v3, vm0, $0xb8;
	[tilespmem:$0x10100] =	vst v63  }
0x14d: {  	_ = 	snop  }
0x14e: {  	[tilespmem:s26], [sflag:$0x1] =	stream.indirect_vreg.gather [hbm4b:s5+s3], $0x80, v3, vm0, $0xb8;
	[tilespmem:$0x10100] =	vst v63  }
0x14f: {  	_ = 	snop  }
0x150: {  	[tilespmem:s28], [sflag:$0x1] =	stream.indirect_vreg.gather [hbm4b:s6+s3], $0x80, v3, vm0, $0xb8;
	[tilespmem:$0x10100] =	vst v63  }
0x151: {  	v3 =	vld [tilespmem:$0xD0];
	_ =	sdelay $0x4  }
0x152: {  	v61 =	vshll.u32 v3, $0x3  }
0x153: {  	v3 =	vand.u32 $0x7, v3;
	v4 =	vand.u32 $0xFFFFFFC0, v61  }
0x154: {  	v3 =	vor.u32 v3, v4  }
0x155: {  	v4 =	vperm.xlane v3, v0;
	_ =	sdelay $0x1  }
0x156: {  	v4 =	vadd.s32 v1, v4;
	_ =	sdelay $0x4  }
0x157: {  	[tilespmem:s29], [sflag:$0x1] =	stream.indirect_vreg.gather [hbm4b:s2+s3], $0x80, v4, vm0, $0xb8;
	[tilespmem:$0x10100] =	vst v63  }
0x158: {  	v3 =	vperm.xlane v3, v2  }
0x159: {  	[tilespmem:s30], [sflag:$0x1] =	stream.indirect_vreg.gather [hbm4b:s4+s3], $0x80, v4, vm0, $0xb8;
	[tilespmem:$0x10100] =	vst v63  }
0x15a: {  	v3 =	vadd.s32 v1, v3  }
0x15b: {  	[tilespmem:s31], [sflag:$0x1] =	stream.indirect_vreg.gather [hbm4b:s5+s3], $0x80, v4, vm0, $0xb8;
	[tilespmem:$0x10100] =	vst v63  }
0x15c: {  	_ = 	snop  }
0x15d: {  	[tilespmem:s14], [sflag:$0x1] =	stream.indirect_vreg.gather [hbm4b:s6+s3], $0x80, v4, vm0, $0xb8;
	[tilespmem:$0x10100] =	vst v63  }
0x15e: {  	_ = 	snop  }
0x15f: {  	[tilespmem:s13], [sflag:$0x1] =	stream.indirect_vreg.gather [hbm4b:s2+s3], $0x80, v3, vm0, $0xb8;
	[tilespmem:$0x10100] =	vst v63  }
0x160: {  	_ = 	snop  }
0x161: {  	[tilespmem:s15], [sflag:$0x1] =	stream.indirect_vreg.gather [hbm4b:s4+s3], $0x80, v3, vm0, $0xb8;
	[tilespmem:$0x10100] =	vst v63  }
0x162: {  	_ = 	snop  }
0x163: {  	[tilespmem:s10], [sflag:$0x1] =	stream.indirect_vreg.gather [hbm4b:s5+s3], $0x80, v3, vm0, $0xb8;
	[tilespmem:$0x10100] =	vst v63  }
0x164: {  	_ = 	snop  }
0x165: {  	[tilespmem:s11], [sflag:$0x1] =	stream.indirect_vreg.gather [hbm4b:s6+s3], $0x80, v3, vm0, $0xb8;
	[tilespmem:$0x10100] =	vst v63  }
0x166: {  	_ =	swait.ge [sflag:s17], $0x8000  }
0x167: {  	[sflag:s17] =	ssyncset.done $0x0  }
0x168: {  	s10 =	rddreg [dreg:$0xa];
	[sflag:s17] =	ssyncadd.s32 $0xFFFF8000  }
0x169: {  	[hbm4b:s10+s3] =	stream.linear.scatter [tilespmem:s25], [sflag:$0x2], $0x8000, $0x38;
	[tilespmem:$0x10100] =	vst v63  }
0x16a: {  	_ =	swait.ge [sflag:s18], $0x8000  }
0x16b: {  	[sflag:s18] =	ssyncset.done $0x0  }
0x16c: {  	[sflag:s18] =	ssyncadd.s32 $0xFFFF8000  }
0x16d: {  	v3 =	vld [tilespmem:$0xE0];
	_ =	sdelay $0x4  }
0x16e: {  	v62 =	vshll.u32 v3, $0x3  }
0x16f: {  	v3 =	vand.u32 $0x7, v3;
	v4 =	vand.u32 $0xFFFFFFC0, v62  }
0x170: {  	v3 =	vor.u32 v3, v4  }
0x171: {  	v4 =	vperm.xlane v3, v0;
	_ =	sdelay $0x1  }
0x172: {  	v4 =	vadd.s32 v1, v4;
	_ =	sdelay $0x4  }
0x173: {  	[tilespmem:s25], [sflag:$0x1] =	stream.indirect_vreg.gather [hbm4b:s2+s3], $0x80, v4, vm0, $0xb8;
	[tilespmem:$0x10100] =	vst v63  }
0x174: {  	s19 =	simm.s32 $0x8900;
	v3 =	vperm.xlane v3, v2  }
0x175: {  	[tilespmem:s19], [sflag:$0x1] =	stream.indirect_vreg.gather [hbm4b:s4+s3], $0x80, v4, vm0, $0xb8;
	[tilespmem:$0x10100] =	vst v63  }
0x176: {  	s0 =	simm.s32 $0x9100;
	v3 =	vadd.s32 v1, v3  }
0x177: {  	[tilespmem:s0], [sflag:$0x1] =	stream.indirect_vreg.gather [hbm4b:s5+s3], $0x80, v4, vm0, $0xb8;
	[tilespmem:$0x10100] =	vst v63  }
0x178: {  	s1 =	simm.s32 $0x9900  }
0x179: {  	[tilespmem:s1], [sflag:$0x1] =	stream.indirect_vreg.gather [hbm4b:s6+s3], $0x80, v4, vm0, $0xb8;
	[tilespmem:$0x10100] =	vst v63  }
0x17a: {  	s8 =	simm.s32 $0xA100  }
0x17b: {  	[tilespmem:s8], [sflag:$0x1] =	stream.indirect_vreg.gather [hbm4b:s2+s3], $0x80, v3, vm0, $0xb8;
	[tilespmem:$0x10100] =	vst v63  }
0x17c: {  	s1 =	simm.s32 $0xA900  }
0x17d: {  	[tilespmem:s1], [sflag:$0x1] =	stream.indirect_vreg.gather [hbm4b:s4+s3], $0x80, v3, vm0, $0xb8;
	[tilespmem:$0x10100] =	vst v63  }
0x17e: {  	s12 =	simm.s32 $0xB100  }
0x17f: {  	[tilespmem:s12], [sflag:$0x1] =	stream.indirect_vreg.gather [hbm4b:s5+s3], $0x80, v3, vm0, $0xb8;
	[tilespmem:$0x10100] =	vst v63  }
0x180: {  	s8 =	simm.s32 $0xB900  }
0x181: {  	[tilespmem:s8], [sflag:$0x1] =	stream.indirect_vreg.gather [hbm4b:s6+s3], $0x80, v3, vm0, $0xb8;
	[tilespmem:$0x10100] =	vst v63  }
0x182: {  	v3 =	vld [tilespmem:$0xF0];
	_ =	sdelay $0x4  }
0x183: {  	v63 =	vshll.u32 v3, $0x3  }
0x184: {  	v3 =	vand.u32 $0x7, v3;
	v4 =	vand.u32 $0xFFFFFFC0, v63  }
0x185: {  	v3 =	vor.u32 v3, v4  }
0x186: {  	v4 =	vperm.xlane v3, v0;
	_ =	sdelay $0x1  }
0x187: {  	v4 =	vadd.s32 v1, v4;
	_ =	sdelay $0x3  }
0x188: {  	s10 =	simm.s32 $0xC100  }
0x189: {  	[tilespmem:s10], [sflag:$0x1] =	stream.indirect_vreg.gather [hbm4b:s2+s3], $0x80, v4, vm0, $0xb8;
	[tilespmem:$0x10100] =	vst v63  }
0x18a: {  	s12 =	simm.s32 $0xC900;
	v3 =	vperm.xlane v3, v2  }
0x18b: {  	[tilespmem:s12], [sflag:$0x1] =	stream.indirect_vreg.gather [hbm4b:s4+s3], $0x80, v4, vm0, $0xb8;
	[tilespmem:$0x10100] =	vst v63  }
0x18c: {  	s16 =	simm.s32 $0xD100;
	v3 =	vadd.s32 v1, v3  }
0x18d: {  	[tilespmem:s16], [sflag:$0x1] =	stream.indirect_vreg.gather [hbm4b:s5+s3], $0x80, v4, vm0, $0xb8;
	[tilespmem:$0x10100] =	vst v63  }
0x18e: {  	s16 =	simm.s32 $0xD900  }
0x18f: {  	[tilespmem:s16], [sflag:$0x1] =	stream.indirect_vreg.gather [hbm4b:s6+s3], $0x80, v4, vm0, $0xb8;
	[tilespmem:$0x10100] =	vst v63  }
0x190: {  	s19 =	simm.s32 $0xE100  }
0x191: {  	[tilespmem:s19], [sflag:$0x1] =	stream.indirect_vreg.gather [hbm4b:s2+s3], $0x80, v3, vm0, $0xb8;
	[tilespmem:$0x10100] =	vst v63  }
0x192: {  	s1 =	simm.s32 $0xE900  }
0x193: {  	[tilespmem:s1], [sflag:$0x1] =	stream.indirect_vreg.gather [hbm4b:s4+s3], $0x80, v3, vm0, $0xb8;
	[tilespmem:$0x10100] =	vst v63  }
0x194: {  	s8 =	simm.s32 $0xF100  }
0x195: {  	[tilespmem:s8], [sflag:$0x1] =	stream.indirect_vreg.gather [hbm4b:s5+s3], $0x80, v3, vm0, $0xb8;
	[tilespmem:$0x10100] =	vst v63  }
0x196: {  	s10 =	simm.s32 $0xF900  }
0x197: {  	[tilespmem:s10], [sflag:$0x1] =	stream.indirect_vreg.gather [hbm4b:s6+s3], $0x80, v3, vm0, $0xb8;
	[tilespmem:$0x10100] =	vst v63  }
0x198: {  	_ =	swait.ge [sflag:s17], $0x8000  }
0x199: {  	[sflag:s17] =	ssyncset.done $0x0  }
0x19a: {  	s12 =	rddreg [dreg:$0xb];
	[sflag:s17] =	ssyncadd.s32 $0xFFFF8000  }
0x19b: {  	[hbm4b:s12+s3] =	stream.linear.scatter [tilespmem:s9], [sflag:$0x2], $0x8000, $0x38;
	[tilespmem:$0x10100] =	vst v63  }
0x19c: {  	_ =	swait.ge [sflag:s17], $0x8000  }
0x19d: {  	[sflag:s17] =	ssyncset.done $0x0  }
0x19e: {  	s16 =	rddreg [dreg:$0xc];
	[sflag:s17] =	ssyncadd.s32 $0xFFFF8000  }
0x19f: {  	[hbm4b:s16+s3] =	stream.linear.scatter [tilespmem:s25], [sflag:$0x2], $0x8000, $0x38;
	[tilespmem:$0x10100] =	vst v63  }
0x1a0: {  	p0 =	sne.s32 s7, $0x1;
	_ =	swait.ge [sflag:s18], $0x8000  }
.Ltmp0:
0x1a1: {  	[sflag:s18] =	ssyncset.done $0x0;
	(pc) =	sbr.rel @p0 .LBB2_1-.Ltmp0, $4  }
0x1a2: {  	[sflag:s18] =	ssyncadd.s32 $0xFFFF8000  }
0x1a3: {  	_ =	swait.ge [sflag:s18], $0x8000  }
0x1a4: {  	[sflag:s18] =	ssyncset.done $0x0  }
0x1a5: {  	s7 =	sadd.s32 $0xFFFFFFFF, s7;
	[sflag:s18] =	ssyncadd.s32 $0xFFFF8000  }
0x1a6: {  	_ =	sfence.sel $0x180000  }
0x1a7: {  	[bflag:$0x0] =	sbarrier.arrive $0xFFFF  }
0x1a8: {  	_ =	strace $0x90000047  }
0x1a9: {  	s0 =	stileid.u32;
	[bflag:$0x2] =	sbarrier.arrive $0xFFFF  }
0x1aa: {  	p0 =	sne.s32 s0, $0x0;
	s0 =	rddreg [dreg:$0x3]  }
0x1ab: {  	s0 =	sadd.s32 @!p0 $0x100000, s0  }
0x1ac: {  	[sflag:s0] =	ssyncadd.tile.s32 @!p0 $0x1;
	_ =	shalt  }
.Lfunc_end2:
_tile_overlayer_lowered:
.L_overlay_start_2:
0x1ad: {  	(tag) =	ssettag $0x2  }
0x1ae: {  	s0 =	rddreg [dreg:$0x0];
	s2 =	stileid.u32  }
0x1af: {  	s1 =	rddreg [dreg:$0x1];
	p0 =	sne.s32 s2, $0x0  }
0x1b0: {  	s3 =	rddreg [dreg:$0x2];
	[bflag:$0x3] =	sbarrier.arrive $0xFFFF;
	s2 =	simm.s32 @!p0 $0x1C03  }
0x1b1: {  	[timem:s3], [sflag:s2] =	dma.local @!p0 [hbm:s0], s1  }
0x1b2: {  	s0 =	simm.s32 @!p0 $0x3  }
0x1b3: {  	_ =	swait.ge @!p0 [sflag:s0], s1  }
0x1b4: {  	s1 =	ssub.s32 @!p0 $0x0, s1;
	[sflag:s0] =	ssyncset.done @!p0 $0x0  }
0x1b5: {  	[sflag:s0] =	ssyncadd.s32 @!p0 s1  }
0x1b6: {  	[bflag:$0x3] =	sbarrier.arrive $0xFFFF  }
0x1b7: {  	_ =	shalt  }

</sc_bundles>
